<compile_context>
chip_gen: v7x
topology: tpu7x:2x2x1
jax: 0.10.2.dev20260603
libtpu: 0.0.44.dev20260713+nightly
codegen_flags: <defaults>
</compile_context>

<pallas_src>
import functools

import jax
import jax.numpy as jnp
from jax import lax
from jax.experimental import pallas as pl
from jax.experimental.pallas import tpu as pltpu
from jax.experimental.pallas import tpu_sc as plsc

NC, NS, L = 2, 16, 16
NW = NC * NS
B, SEQ, EMB = 16384, 200, 16
VOCAB = 1000000
TW_N = 1 << 20
CHUNK = 16
GPC = CHUNK * SEQ
GB = 128
NGB = GPC // GB
CHUNKS_PER_W = B // (NW * CHUNK)
SPMEM_SLICE = TW_N // NS
TC_GRID = 8
TC_BLK = TW_N // TC_GRID
ROUND_MAGIC = 12582912.0


def _tw_body(wb_sref, tT_ref, out_ref):
    acc = tT_ref[0, :] * wb_sref[0, 0]
    for e in range(1, EMB):
        acc = acc + tT_ref[e, :] * wb_sref[0, e]
    out_ref[...] = acc


_tw_call = pl.pallas_call(
    _tw_body,
    grid=(TC_GRID,),
    in_specs=[
        pl.BlockSpec(memory_space=pltpu.SMEM),
        pl.BlockSpec((EMB, TC_BLK), lambda g: (0, g)),
    ],
    out_specs=pl.BlockSpec((TC_BLK,), lambda g: (g,)),
    out_shape=jax.ShapeDtypeStruct((TW_N,), jnp.float32),
)


@functools.partial(
    pl.kernel,
    out_type=jax.ShapeDtypeStruct((B,), jnp.float32),
    mesh=plsc.VectorSubcoreMesh(
        core_axis_name="c", subcore_axis_name="s",
        num_cores=NC, num_subcores=NS),
    compiler_params=pltpu.CompilerParams(
        needs_layout_passes=False, use_tc_tiling_on_sc=False),
    scratch_types=[
        pltpu.VMEM((GPC,), jnp.int32),
        pltpu.VMEM((GPC,), jnp.int32),
        pltpu.VMEM((GPC,), jnp.float32),
        pltpu.VMEM((GPC,), jnp.float32),
        pltpu.VMEM((2, L), jnp.float32),
        pltpu.VMEM((CHUNK * CHUNKS_PER_W,), jnp.float32),
        pltpu.VMEM_SHARED((TW_N,), jnp.float32),
        pltpu.SemaphoreType.DMA,
        pltpu.SemaphoreType.DMA,
        pltpu.SemaphoreType.DMA,
        pltpu.SemaphoreType.DMA,
    ],
)
def _sc_forward(xr_hbm, tw_hbm, wb_hbm, out_hbm,
                idx0_v, idx1_v, vals0_v, vals1_v, wb_v, out_v, tw_sh,
                sem0, sem1, semi0, semi1):
    cid = lax.axis_index("c")
    sid = lax.axis_index("s")
    wid = sid * NC + cid
    pltpu.sync_copy(tw_hbm.at[pl.ds(sid * SPMEM_SLICE, SPMEM_SLICE)],
                    tw_sh.at[pl.ds(sid * SPMEM_SLICE, SPMEM_SLICE)])
    pltpu.sync_copy(wb_hbm, wb_v)
    plsc.subcore_barrier()

    bv = wb_v[1, :]
    lane = lax.broadcasted_iota(jnp.int32, (L,), 0)
    base_idx = lane * SEQ
    zero = jnp.zeros((L,), jnp.float32)

    def start_idx(ci, idx_v, semi):
        pltpu.async_copy(xr_hbm.at[ci], idx_v, semi)

    def wait_idx(ci, idx_v, semi):
        pltpu.make_async_copy(xr_hbm.at[ci], idx_v, semi).wait()

    def fire(idx_v, vals_v, sem):
        pltpu.async_copy(tw_sh.at[idx_v], vals_v, sem)

    def drain(idx_v, vals_v, sem):
        pltpu.make_async_copy(tw_sh.at[idx_v], vals_v, sem).wait()

    def reduce_store(vals_v, g):
        def acc_body(i, accs):
            l = i * 4
            a0, a1, a2, a3 = accs
            return (a0 + plsc.load_gather(vals_v, [base_idx + l]),
                    a1 + plsc.load_gather(vals_v, [base_idx + (l + 1)]),
                    a2 + plsc.load_gather(vals_v, [base_idx + (l + 2)]),
                    a3 + plsc.load_gather(vals_v, [base_idx + (l + 3)]))

        a0, a1, a2, a3 = lax.fori_loop(
            0, SEQ // 4, acc_body, (zero, zero, zero, zero), unroll=5)
        z = (a0 + a1) + (a2 + a3) + bv
        sig = 1.0 / (1.0 + jnp.exp(-z))
        y = sig * 1e4
        r = (y + ROUND_MAGIC) - ROUND_MAGIC
        out_v[pl.ds(g * CHUNK, CHUNK)] = r * 1e-4

    base_ci = wid * CHUNKS_PER_W
    start_idx(base_ci, idx0_v, semi0)
    wait_idx(base_ci, idx0_v, semi0)
    fire(idx0_v, vals0_v, sem0)
    start_idx(base_ci + 1, idx1_v, semi1)

    def body2(k, carry):
        g0 = base_ci + 2 * k
        wait_idx(g0 + 1, idx1_v, semi1)
        fire(idx1_v, vals1_v, sem1)
        drain(idx0_v, vals0_v, sem0)

        @pl.when(2 * k + 2 < CHUNKS_PER_W)
        def _():
            start_idx(g0 + 2, idx0_v, semi0)

        reduce_store(vals0_v, 2 * k)

        @pl.when(2 * k + 2 < CHUNKS_PER_W)
        def _():
            wait_idx(g0 + 2, idx0_v, semi0)
            fire(idx0_v, vals0_v, sem0)

        drain(idx1_v, vals1_v, sem1)

        @pl.when(2 * k + 3 < CHUNKS_PER_W)
        def _():
            start_idx(g0 + 3, idx1_v, semi1)

        reduce_store(vals1_v, 2 * k + 1)
        return carry

    lax.fori_loop(0, CHUNKS_PER_W // 2, body2, 0)
    pltpu.sync_copy(
        out_v, out_hbm.at[pl.ds(base_ci * CHUNK, CHUNK * CHUNKS_PER_W)])


def kernel(x, table, W, b):
    tableT = jnp.transpose(table.astype(jnp.float32))
    wv = (W.astype(jnp.float32).reshape(EMB) / SEQ)
    bv = jnp.broadcast_to(b.astype(jnp.float32), (L,))
    wb = jnp.stack([wv, bv])
    tw = _tw_call(wb, tableT)
    xr = x.astype(jnp.int32).reshape(B // CHUNK, GPC)
    out = _sc_forward(xr, tw, wb)
    return out.reshape(B, 1)

# --- scband reference (transcript-rebuilt; emitter-appended) ---
"""Pipeline reference for scband-solution-37366215475524 (READ-ONLY COPY).

The authoritative reference and input builder live on the scoring server;
editing this copy changes nothing except your own understanding.
"""

import jax, jax.numpy as jnp
import numpy as np

VOCAB = 1000000
EMB = 16


def setup_inputs(seed: int = 0) -> dict:
    key = jax.random.key(seed)
    k1, k2, k3, k4 = jax.random.split(key, 4)
    x = jax.random.randint(k1, (16384, 200), 0, VOCAB)
    table = jax.random.normal(k2, (VOCAB, EMB), dtype=jnp.float32)
    W = jax.random.normal(k3, (1, EMB), dtype=jnp.float32) * 0.1
    b = jax.random.normal(k4, (1,), dtype=jnp.float32) * 0.1
    return {"x": x, "table": table, "W": W, "b": b}


def reference(x, table, W, b):
    # nn.Embedding lookup -> gather
    first_out = jnp.take(table, x, axis=0)          # [B, L, 16]
    avg_emb = jnp.mean(first_out, axis=1)           # [B, 16]
    sec_out = avg_emb @ W.T + b                     # [B, 1]
    sig_out = jax.nn.sigmoid(sec_out)
    return jnp.round(sig_out, decimals=4)

if __name__ == "__main__":
    import jax
    _d = setup_inputs()
    print(jax.jit(kernel)(*tuple(_d.values())))

</pallas_src>

<mosaic_0001>
#map = affine_map<(d0, d1) -> (0, 0)>
#map1 = affine_map<(d0, d1) -> (0)>
module attributes {stable_mosaic.version = 14 : i64} {
  func.func @_sc_forward(%arg0: i32, %arg1: i32, %arg2: memref<1024x3200xi32, #tpu.memory_space<hbm>>, %arg3: memref<1048576xf32, #tpu.memory_space<hbm>>, %arg4: memref<2x16xf32, #tpu.memory_space<hbm>>, %arg5: memref<16384xf32, #tpu.memory_space<hbm>>, %arg6: memref<3200xi32, #tpu.memory_space<vmem>>, %arg7: memref<3200xi32, #tpu.memory_space<vmem>>, %arg8: memref<3200xf32, #tpu.memory_space<vmem>>, %arg9: memref<3200xf32, #tpu.memory_space<vmem>>, %arg10: memref<2x16xf32, #tpu.memory_space<vmem>>, %arg11: memref<512xf32, #tpu.memory_space<vmem>>, %arg12: memref<1048576xf32, #tpu.memory_space<vmem_shared>>, %arg13: memref<!tpu.dma_semaphore, #tpu.memory_space<semaphore_mem>>, %arg14: memref<!tpu.dma_semaphore, #tpu.memory_space<semaphore_mem>>, %arg15: memref<!tpu.dma_semaphore, #tpu.memory_space<semaphore_mem>>, %arg16: memref<!tpu.dma_semaphore, #tpu.memory_space<semaphore_mem>>) attributes {dimension_semantics = [#tpu.dimension_semantics<core_parallel>, #tpu.dimension_semantics<subcore_parallel>], iteration_bounds = array<i64: 2, 16>, scalar_prefetch = 0 : i64, scratch_operands = 11 : i64, tpu.core_type = #tpu.core_type<sc_vector_subcore>, window_params = [{transform_indices = #map}, {transform_indices = #map1}, {transform_indices = #map}, {transform_indices = #map1}]} {
    %mul3A = arith.constant 2 : i32
    %mul3A_0 = arith.muli %arg1, %mul3A : i32
    %add3A = arith.addi %mul3A_0, %arg0 : i32
    %mul3A_1 = arith.constant 65536 : i32
    %mul3A_2 = arith.muli %arg1, %mul3A_1 : i32
    %mul3A_3 = arith.constant 65536 : i32
    %mul3A_4 = arith.muli %arg1, %mul3A_3 : i32
    "tpu.region"() ({
      %run_scoped3A = tpu.sem_alloc : memref<!tpu.dma_semaphore, #tpu.memory_space<semaphore_mem>>
      %dma_start3A_41 = tpu.memref_slice %arg12[%mul3A_4] : memref<1048576xf32, #tpu.memory_space<vmem_shared>> -> memref<65536xf32, #tpu.memory_space<vmem_shared>>
      %dma_start3A_42 = tpu.memref_slice %arg3[%mul3A_2] : memref<1048576xf32, #tpu.memory_space<hbm>> -> memref<65536xf32, #tpu.memory_space<hbm>>
      tpu.enqueue_dma source(%dma_start3A_42 : memref<65536xf32, #tpu.memory_space<hbm>>) target(%dma_start3A_41 : memref<65536xf32, #tpu.memory_space<vmem_shared>>) target_semaphore(%run_scoped3A : memref<!tpu.dma_semaphore, #tpu.memory_space<semaphore_mem>>)
      %dma_wait3A_43 = tpu.memref_slice %arg12[%mul3A_4] : memref<1048576xf32, #tpu.memory_space<vmem_shared>> -> memref<65536xf32, #tpu.memory_space<vmem_shared>>
      %dma_wait3A_44 = tpu.memref_slice %arg3[%mul3A_2] : memref<1048576xf32, #tpu.memory_space<hbm>> -> memref<65536xf32, #tpu.memory_space<hbm>>
      tpu.wait_dma2 semaphore(%run_scoped3A : memref<!tpu.dma_semaphore, #tpu.memory_space<semaphore_mem>>) src(%dma_wait3A_44 : memref<65536xf32, #tpu.memory_space<hbm>>) dst(%dma_wait3A_43 : memref<65536xf32, #tpu.memory_space<vmem_shared>>)
      tpu.yield
    }) : () -> ()
    "tpu.region"() ({
      %run_scoped3A = tpu.sem_alloc : memref<!tpu.dma_semaphore, #tpu.memory_space<semaphore_mem>>
      tpu.enqueue_dma source(%arg4 : memref<2x16xf32, #tpu.memory_space<hbm>>) target(%arg10 : memref<2x16xf32, #tpu.memory_space<vmem>>) target_semaphore(%run_scoped3A : memref<!tpu.dma_semaphore, #tpu.memory_space<semaphore_mem>>)
      tpu.wait_dma2 semaphore(%run_scoped3A : memref<!tpu.dma_semaphore, #tpu.memory_space<semaphore_mem>>) src(%arg4 : memref<2x16xf32, #tpu.memory_space<hbm>>) dst(%arg10 : memref<2x16xf32, #tpu.memory_space<vmem>>)
      tpu.yield
    }) : () -> ()
    %barrier3A = arith.constant 0 : index
    tpu.barrier barrier_id(%barrier3A)
    %get3A = arith.constant 1 : i32
    %get3A_5 = arith.index_cast %get3A : i32 to index
    %get3A_6 = arith.constant 0 : index
    %get3A_7 = tpu.vector_load %arg10[%get3A_5, %get3A_6] {strides = array<i32>} : memref<2x16xf32, #tpu.memory_space<vmem>>, vector<16xf32>,
    %iota3A = tpu.iota {dimensions = array<i32: 0>} : vector<16xi32>
    %mul3A_8 = arith.constant 200 : i32
    %mul3A_9 = vector.broadcast %mul3A_8 : i32 to vector<16xi32>
    %mul3A_10 = arith.muli %iota3A, %mul3A_9 : vector<16xi32>
    %broadcast_in_dim3A = arith.constant 0.000000e+00 : f32
    %broadcast_in_dim3A_11 = vector.broadcast %broadcast_in_dim3A : f32 to vector<16xf32>
    %mul3A_12 = arith.constant 32 : i32
    %mul3A_13 = arith.muli %add3A, %mul3A_12 : i32
    %dma_start3A = arith.constant 0 : i32
    %dma_start3A_14 = tpu.memref_slice %arg2[%mul3A_13, %dma_start3A] : memref<1024x3200xi32, #tpu.memory_space<hbm>> -> memref<1x3200xi32, #tpu.memory_space<hbm>>
    %dma_start3A_15 = tpu.memref_squeeze %dma_start3A_14 : memref<1x3200xi32, #tpu.memory_space<hbm>> -> memref<3200xi32, #tpu.memory_space<hbm>>
    %dma_start3A_16 = arith.constant 0 : i32
    %dma_start3A_17 = tpu.memref_slice %arg2[%mul3A_13, %dma_start3A_16] : memref<1024x3200xi32, #tpu.memory_space<hbm>> -> memref<1x3200xi32, #tpu.memory_space<hbm>>
    %dma_start3A_18 = tpu.memref_squeeze %dma_start3A_17 : memref<1x3200xi32, #tpu.memory_space<hbm>> -> memref<3200xi32, #tpu.memory_space<hbm>>
    tpu.enqueue_dma source(%dma_start3A_18 : memref<3200xi32, #tpu.memory_space<hbm>>) target(%arg6 : memref<3200xi32, #tpu.memory_space<vmem>>) target_semaphore(%arg15 : memref<!tpu.dma_semaphore, #tpu.memory_space<semaphore_mem>>)
    %dma_wait3A = arith.constant 0 : i32
    %dma_wait3A_19 = tpu.memref_slice %arg2[%mul3A_13, %dma_wait3A] : memref<1024x3200xi32, #tpu.memory_space<hbm>> -> memref<1x3200xi32, #tpu.memory_space<hbm>>
    %dma_wait3A_20 = tpu.memref_squeeze %dma_wait3A_19 : memref<1x3200xi32, #tpu.memory_space<hbm>> -> memref<3200xi32, #tpu.memory_space<hbm>>
    %dma_wait3A_21 = arith.constant 0 : i32
    %dma_wait3A_22 = tpu.memref_slice %arg2[%mul3A_13, %dma_wait3A_21] : memref<1024x3200xi32, #tpu.memory_space<hbm>> -> memref<1x3200xi32, #tpu.memory_space<hbm>>
    %dma_wait3A_23 = tpu.memref_squeeze %dma_wait3A_22 : memref<1x3200xi32, #tpu.memory_space<hbm>> -> memref<3200xi32, #tpu.memory_space<hbm>>
    tpu.wait_dma2 semaphore(%arg15 : memref<!tpu.dma_semaphore, #tpu.memory_space<semaphore_mem>>) src(%dma_wait3A_23 : memref<3200xi32, #tpu.memory_space<hbm>>) dst(%arg6 : memref<3200xi32, #tpu.memory_space<vmem>>)
    %dma_start3A_24 = arith.constant 0 : i32
    %dma_start3A_25 = tpu.memref_slice %arg12[%dma_start3A_24] : memref<1048576xf32, #tpu.memory_space<vmem_shared>> -> memref<1048576xf32, #tpu.memory_space<vmem_shared>>
    tpu.enqueue_indirect_dma source(%dma_start3A_25 : memref<1048576xf32, #tpu.memory_space<vmem_shared>>) target(%arg8 : memref<3200xf32, #tpu.memory_space<vmem>>) offsets(%arg6 : memref<3200xi32, #tpu.memory_space<vmem>>) semaphore(%arg13 : memref<!tpu.dma_semaphore, #tpu.memory_space<semaphore_mem>>)
    %add3A_26 = arith.constant 1 : i32
    %add3A_27 = arith.addi %mul3A_13, %add3A_26 : i32
    %dma_start3A_28 = arith.constant 0 : i32
    %dma_start3A_29 = tpu.memref_slice %arg2[%add3A_27, %dma_start3A_28] : memref<1024x3200xi32, #tpu.memory_space<hbm>> -> memref<1x3200xi32, #tpu.memory_space<hbm>>
    %dma_start3A_30 = tpu.memref_squeeze %dma_start3A_29 : memref<1x3200xi32, #tpu.memory_space<hbm>> -> memref<3200xi32, #tpu.memory_space<hbm>>
    %dma_start3A_31 = arith.constant 0 : i32
    %dma_start3A_32 = tpu.memref_slice %arg2[%add3A_27, %dma_start3A_31] : memref<1024x3200xi32, #tpu.memory_space<hbm>> -> memref<1x3200xi32, #tpu.memory_space<hbm>>
    %dma_start3A_33 = tpu.memref_squeeze %dma_start3A_32 : memref<1x3200xi32, #tpu.memory_space<hbm>> -> memref<3200xi32, #tpu.memory_space<hbm>>
    tpu.enqueue_dma source(%dma_start3A_33 : memref<3200xi32, #tpu.memory_space<hbm>>) target(%arg7 : memref<3200xi32, #tpu.memory_space<vmem>>) target_semaphore(%arg16 : memref<!tpu.dma_semaphore, #tpu.memory_space<semaphore_mem>>)
    %scan3A = arith.constant 0 : i32
    %scan3A_34 = arith.constant 0 : i32
    %scan3A_35 = arith.constant 16 : i32
    %scan3A_36 = arith.addi %scan3A_34, %scan3A_35 : i32
    %scan3A_37 = arith.constant 1 : i32
    scf.for %scan3A_41 = %scan3A_34 to %scan3A_36 step %scan3A_37  : i32 {
      %mul3A_42 = arith.constant 2 : i32
      %mul3A_43 = arith.muli %mul3A_42, %scan3A_41 : i32
      %add3A_44 = arith.addi %mul3A_13, %mul3A_43 : i32
      %add3A_45 = arith.constant 1 : i32
      %add3A_46 = arith.addi %add3A_44, %add3A_45 : i32
      %dma_wait3A_47 = arith.constant 0 : i32
      %dma_wait3A_48 = tpu.memref_slice %arg2[%add3A_46, %dma_wait3A_47] : memref<1024x3200xi32, #tpu.memory_space<hbm>> -> memref<1x3200xi32, #tpu.memory_space<hbm>>
      %dma_wait3A_49 = tpu.memref_squeeze %dma_wait3A_48 : memref<1x3200xi32, #tpu.memory_space<hbm>> -> memref<3200xi32, #tpu.memory_space<hbm>>
      %dma_wait3A_50 = arith.constant 0 : i32
      %dma_wait3A_51 = tpu.memref_slice %arg2[%add3A_46, %dma_wait3A_50] : memref<1024x3200xi32, #tpu.memory_space<hbm>> -> memref<1x3200xi32, #tpu.memory_space<hbm>>
      %dma_wait3A_52 = tpu.memref_squeeze %dma_wait3A_51 : memref<1x3200xi32, #tpu.memory_space<hbm>> -> memref<3200xi32, #tpu.memory_space<hbm>>
      tpu.wait_dma2 semaphore(%arg16 : memref<!tpu.dma_semaphore, #tpu.memory_space<semaphore_mem>>) src(%dma_wait3A_52 : memref<3200xi32, #tpu.memory_space<hbm>>) dst(%arg7 : memref<3200xi32, #tpu.memory_space<vmem>>)
      %dma_start3A_53 = arith.constant 0 : i32
      %dma_start3A_54 = tpu.memref_slice %arg12[%dma_start3A_53] : memref<1048576xf32, #tpu.memory_space<vmem_shared>> -> memref<1048576xf32, #tpu.memory_space<vmem_shared>>
      tpu.enqueue_indirect_dma source(%dma_start3A_54 : memref<1048576xf32, #tpu.memory_space<vmem_shared>>) target(%arg9 : memref<3200xf32, #tpu.memory_space<vmem>>) offsets(%arg7 : memref<3200xi32, #tpu.memory_space<vmem>>) semaphore(%arg14 : memref<!tpu.dma_semaphore, #tpu.memory_space<semaphore_mem>>)
      %dma_wait3A_55 = arith.constant 0 : i32
      %dma_wait3A_56 = tpu.memref_slice %arg12[%dma_wait3A_55] : memref<1048576xf32, #tpu.memory_space<vmem_shared>> -> memref<1048576xf32, #tpu.memory_space<vmem_shared>>
      tpu.wait_indirect_dma semaphore(%arg13 : memref<!tpu.dma_semaphore, #tpu.memory_space<semaphore_mem>>) src(%dma_wait3A_56 : memref<1048576xf32, #tpu.memory_space<vmem_shared>>) dst(%arg8 : memref<3200xf32, #tpu.memory_space<vmem>>)
      %mul3A_57 = arith.constant 2 : i32
      %mul3A_58 = arith.muli %mul3A_57, %scan3A_41 : i32
      %add3A_59 = arith.constant 2 : i32
      %add3A_60 = arith.addi %mul3A_58, %add3A_59 : i32
      %lt3A = arith.constant 32 : i32
      %lt3A_61 = arith.cmpi slt, %add3A_60, %lt3A : i32
      %convert_element_type3A = arith.extui %lt3A_61 : i1 to i32
      %cond3A = arith.constant 0 : i32
      %cond3A_62 = arith.cmpi ne, %convert_element_type3A, %cond3A : i32
      scf.if %cond3A_62 {
        %add3A_156 = arith.constant 2 : i32
        %add3A_157 = arith.addi %add3A_44, %add3A_156 : i32
        %dma_start3A_158 = arith.constant 0 : i32
        %dma_start3A_159 = tpu.memref_slice %arg2[%add3A_157, %dma_start3A_158] : memref<1024x3200xi32, #tpu.memory_space<hbm>> -> memref<1x3200xi32, #tpu.memory_space<hbm>>
        %dma_start3A_160 = tpu.memref_squeeze %dma_start3A_159 : memref<1x3200xi32, #tpu.memory_space<hbm>> -> memref<3200xi32, #tpu.memory_space<hbm>>
        %dma_start3A_161 = arith.constant 0 : i32
        %dma_start3A_162 = tpu.memref_slice %arg2[%add3A_157, %dma_start3A_161] : memref<1024x3200xi32, #tpu.memory_space<hbm>> -> memref<1x3200xi32, #tpu.memory_space<hbm>>
        %dma_start3A_163 = tpu.memref_squeeze %dma_start3A_162 : memref<1x3200xi32, #tpu.memory_space<hbm>> -> memref<3200xi32, #tpu.memory_space<hbm>>
        tpu.enqueue_dma source(%dma_start3A_163 : memref<3200xi32, #tpu.memory_space<hbm>>) target(%arg6 : memref<3200xi32, #tpu.memory_space<vmem>>) target_semaphore(%arg15 : memref<!tpu.dma_semaphore, #tpu.memory_space<semaphore_mem>>)
      } else {
      }
      %mul3A_63 = arith.constant 2 : i32
      %mul3A_64 = arith.muli %mul3A_63, %scan3A_41 : i32
      %scan3A_65 = arith.constant 0 : i32
      %scan3A_66 = arith.constant 50 : i32
      %scan3A_67 = arith.addi %scan3A_65, %scan3A_66 : i32
      %scan3A_68 = arith.constant 5 : i32
      %scan3A_69:4 = scf.for %scan3A_156 = %scan3A_65 to %scan3A_67 step %scan3A_68 iter_args(%scan3A_157 = %broadcast_in_dim3A_11, %scan3A_158 = %broadcast_in_dim3A_11, %scan3A_159 = %broadcast_in_dim3A_11, %scan3A_160 = %broadcast_in_dim3A_11) -> (vector<16xf32>, vector<16xf32>, vector<16xf32>, vector<16xf32>)  : i32 {
        %mul3A_161 = arith.constant 4 : i32
        %mul3A_162 = arith.muli %scan3A_156, %mul3A_161 : i32
        %add3A_163 = vector.broadcast %mul3A_162 : i32 to vector<16xi32>
        %add3A_164 = arith.addi %mul3A_10, %add3A_163 : vector<16xi32>
        %gather3A = tpu.vector_load_idx %arg8[%add3A_164] : memref<3200xf32, #tpu.memory_space<vmem>>[vector<16xi32>], vector<16xf32>,
        %add3A_165 = arith.addf %scan3A_157, %gather3A : vector<16xf32>
        %add3A_166 = arith.constant 1 : i32
        %add3A_167 = arith.addi %mul3A_162, %add3A_166 : i32
        %add3A_168 = vector.broadcast %add3A_167 : i32 to vector<16xi32>
        %add3A_169 = arith.addi %mul3A_10, %add3A_168 : vector<16xi32>
        %gather3A_170 = tpu.vector_load_idx %arg8[%add3A_169] : memref<3200xf32, #tpu.memory_space<vmem>>[vector<16xi32>], vector<16xf32>,
        %add3A_171 = arith.addf %scan3A_158, %gather3A_170 : vector<16xf32>
        %add3A_172 = arith.constant 2 : i32
        %add3A_173 = arith.addi %mul3A_162, %add3A_172 : i32
        %add3A_174 = vector.broadcast %add3A_173 : i32 to vector<16xi32>
        %add3A_175 = arith.addi %mul3A_10, %add3A_174 : vector<16xi32>
        %gather3A_176 = tpu.vector_load_idx %arg8[%add3A_175] : memref<3200xf32, #tpu.memory_space<vmem>>[vector<16xi32>], vector<16xf32>,
        %add3A_177 = arith.addf %scan3A_159, %gather3A_176 : vector<16xf32>
        %add3A_178 = arith.constant 3 : i32
        %add3A_179 = arith.addi %mul3A_162, %add3A_178 : i32
        %add3A_180 = vector.broadcast %add3A_179 : i32 to vector<16xi32>
        %add3A_181 = arith.addi %mul3A_10, %add3A_180 : vector<16xi32>
        %gather3A_182 = tpu.vector_load_idx %arg8[%add3A_181] : memref<3200xf32, #tpu.memory_space<vmem>>[vector<16xi32>], vector<16xf32>,
        %add3A_183 = arith.addf %scan3A_160, %gather3A_182 : vector<16xf32>
        %scan3A_184 = arith.constant 1 : i32
        %scan3A_185 = arith.addi %scan3A_156, %scan3A_184 : i32
        %mul3A_186 = arith.constant 4 : i32
        %mul3A_187 = arith.muli %scan3A_185, %mul3A_186 : i32
        %add3A_188 = vector.broadcast %mul3A_187 : i32 to vector<16xi32>
        %add3A_189 = arith.addi %mul3A_10, %add3A_188 : vector<16xi32>
        %gather3A_190 = tpu.vector_load_idx %arg8[%add3A_189] : memref<3200xf32, #tpu.memory_space<vmem>>[vector<16xi32>], vector<16xf32>,
        %add3A_191 = arith.addf %add3A_165, %gather3A_190 : vector<16xf32>
        %add3A_192 = arith.constant 1 : i32
        %add3A_193 = arith.addi %mul3A_187, %add3A_192 : i32
        %add3A_194 = vector.broadcast %add3A_193 : i32 to vector<16xi32>
        %add3A_195 = arith.addi %mul3A_10, %add3A_194 : vector<16xi32>
        %gather3A_196 = tpu.vector_load_idx %arg8[%add3A_195] : memref<3200xf32, #tpu.memory_space<vmem>>[vector<16xi32>], vector<16xf32>,
        %add3A_197 = arith.addf %add3A_171, %gather3A_196 : vector<16xf32>
        %add3A_198 = arith.constant 2 : i32
        %add3A_199 = arith.addi %mul3A_187, %add3A_198 : i32
        %add3A_200 = vector.broadcast %add3A_199 : i32 to vector<16xi32>
        %add3A_201 = arith.addi %mul3A_10, %add3A_200 : vector<16xi32>
        %gather3A_202 = tpu.vector_load_idx %arg8[%add3A_201] : memref<3200xf32, #tpu.memory_space<vmem>>[vector<16xi32>], vector<16xf32>,
        %add3A_203 = arith.addf %add3A_177, %gather3A_202 : vector<16xf32>
        %add3A_204 = arith.constant 3 : i32
        %add3A_205 = arith.addi %mul3A_187, %add3A_204 : i32
        %add3A_206 = vector.broadcast %add3A_205 : i32 to vector<16xi32>
        %add3A_207 = arith.addi %mul3A_10, %add3A_206 : vector<16xi32>
        %gather3A_208 = tpu.vector_load_idx %arg8[%add3A_207] : memref<3200xf32, #tpu.memory_space<vmem>>[vector<16xi32>], vector<16xf32>,
        %add3A_209 = arith.addf %add3A_183, %gather3A_208 : vector<16xf32>
        %scan3A_210 = arith.constant 2 : i32
        %scan3A_211 = arith.addi %scan3A_156, %scan3A_210 : i32
        %mul3A_212 = arith.constant 4 : i32
        %mul3A_213 = arith.muli %scan3A_211, %mul3A_212 : i32
        %add3A_214 = vector.broadcast %mul3A_213 : i32 to vector<16xi32>
        %add3A_215 = arith.addi %mul3A_10, %add3A_214 : vector<16xi32>
        %gather3A_216 = tpu.vector_load_idx %arg8[%add3A_215] : memref<3200xf32, #tpu.memory_space<vmem>>[vector<16xi32>], vector<16xf32>,
        %add3A_217 = arith.addf %add3A_191, %gather3A_216 : vector<16xf32>
        %add3A_218 = arith.constant 1 : i32
        %add3A_219 = arith.addi %mul3A_213, %add3A_218 : i32
        %add3A_220 = vector.broadcast %add3A_219 : i32 to vector<16xi32>
        %add3A_221 = arith.addi %mul3A_10, %add3A_220 : vector<16xi32>
        %gather3A_222 = tpu.vector_load_idx %arg8[%add3A_221] : memref<3200xf32, #tpu.memory_space<vmem>>[vector<16xi32>], vector<16xf32>,
        %add3A_223 = arith.addf %add3A_197, %gather3A_222 : vector<16xf32>
        %add3A_224 = arith.constant 2 : i32
        %add3A_225 = arith.addi %mul3A_213, %add3A_224 : i32
        %add3A_226 = vector.broadcast %add3A_225 : i32 to vector<16xi32>
        %add3A_227 = arith.addi %mul3A_10, %add3A_226 : vector<16xi32>
        %gather3A_228 = tpu.vector_load_idx %arg8[%add3A_227] : memref<3200xf32, #tpu.memory_space<vmem>>[vector<16xi32>], vector<16xf32>,
        %add3A_229 = arith.addf %add3A_203, %gather3A_228 : vector<16xf32>
        %add3A_230 = arith.constant 3 : i32
        %add3A_231 = arith.addi %mul3A_213, %add3A_230 : i32
        %add3A_232 = vector.broadcast %add3A_231 : i32 to vector<16xi32>
        %add3A_233 = arith.addi %mul3A_10, %add3A_232 : vector<16xi32>
        %gather3A_234 = tpu.vector_load_idx %arg8[%add3A_233] : memref<3200xf32, #tpu.memory_space<vmem>>[vector<16xi32>], vector<16xf32>,
        %add3A_235 = arith.addf %add3A_209, %gather3A_234 : vector<16xf32>
        %scan3A_236 = arith.constant 3 : i32
        %scan3A_237 = arith.addi %scan3A_156, %scan3A_236 : i32
        %mul3A_238 = arith.constant 4 : i32
        %mul3A_239 = arith.muli %scan3A_237, %mul3A_238 : i32
        %add3A_240 = vector.broadcast %mul3A_239 : i32 to vector<16xi32>
        %add3A_241 = arith.addi %mul3A_10, %add3A_240 : vector<16xi32>
        %gather3A_242 = tpu.vector_load_idx %arg8[%add3A_241] : memref<3200xf32, #tpu.memory_space<vmem>>[vector<16xi32>], vector<16xf32>,
        %add3A_243 = arith.addf %add3A_217, %gather3A_242 : vector<16xf32>
        %add3A_244 = arith.constant 1 : i32
        %add3A_245 = arith.addi %mul3A_239, %add3A_244 : i32
        %add3A_246 = vector.broadcast %add3A_245 : i32 to vector<16xi32>
        %add3A_247 = arith.addi %mul3A_10, %add3A_246 : vector<16xi32>
        %gather3A_248 = tpu.vector_load_idx %arg8[%add3A_247] : memref<3200xf32, #tpu.memory_space<vmem>>[vector<16xi32>], vector<16xf32>,
        %add3A_249 = arith.addf %add3A_223, %gather3A_248 : vector<16xf32>
        %add3A_250 = arith.constant 2 : i32
        %add3A_251 = arith.addi %mul3A_239, %add3A_250 : i32
        %add3A_252 = vector.broadcast %add3A_251 : i32 to vector<16xi32>
        %add3A_253 = arith.addi %mul3A_10, %add3A_252 : vector<16xi32>
        %gather3A_254 = tpu.vector_load_idx %arg8[%add3A_253] : memref<3200xf32, #tpu.memory_space<vmem>>[vector<16xi32>], vector<16xf32>,
        %add3A_255 = arith.addf %add3A_229, %gather3A_254 : vector<16xf32>
        %add3A_256 = arith.constant 3 : i32
        %add3A_257 = arith.addi %mul3A_239, %add3A_256 : i32
        %add3A_258 = vector.broadcast %add3A_257 : i32 to vector<16xi32>
        %add3A_259 = arith.addi %mul3A_10, %add3A_258 : vector<16xi32>
        %gather3A_260 = tpu.vector_load_idx %arg8[%add3A_259] : memref<3200xf32, #tpu.memory_space<vmem>>[vector<16xi32>], vector<16xf32>,
        %add3A_261 = arith.addf %add3A_235, %gather3A_260 : vector<16xf32>
        %scan3A_262 = arith.constant 4 : i32
        %scan3A_263 = arith.addi %scan3A_156, %scan3A_262 : i32
        %mul3A_264 = arith.constant 4 : i32
        %mul3A_265 = arith.muli %scan3A_263, %mul3A_264 : i32
        %add3A_266 = vector.broadcast %mul3A_265 : i32 to vector<16xi32>
        %add3A_267 = arith.addi %mul3A_10, %add3A_266 : vector<16xi32>
        %gather3A_268 = tpu.vector_load_idx %arg8[%add3A_267] : memref<3200xf32, #tpu.memory_space<vmem>>[vector<16xi32>], vector<16xf32>,
        %add3A_269 = arith.addf %add3A_243, %gather3A_268 : vector<16xf32>
        %add3A_270 = arith.constant 1 : i32
        %add3A_271 = arith.addi %mul3A_265, %add3A_270 : i32
        %add3A_272 = vector.broadcast %add3A_271 : i32 to vector<16xi32>
        %add3A_273 = arith.addi %mul3A_10, %add3A_272 : vector<16xi32>
        %gather3A_274 = tpu.vector_load_idx %arg8[%add3A_273] : memref<3200xf32, #tpu.memory_space<vmem>>[vector<16xi32>], vector<16xf32>,
        %add3A_275 = arith.addf %add3A_249, %gather3A_274 : vector<16xf32>
        %add3A_276 = arith.constant 2 : i32
        %add3A_277 = arith.addi %mul3A_265, %add3A_276 : i32
        %add3A_278 = vector.broadcast %add3A_277 : i32 to vector<16xi32>
        %add3A_279 = arith.addi %mul3A_10, %add3A_278 : vector<16xi32>
        %gather3A_280 = tpu.vector_load_idx %arg8[%add3A_279] : memref<3200xf32, #tpu.memory_space<vmem>>[vector<16xi32>], vector<16xf32>,
        %add3A_281 = arith.addf %add3A_255, %gather3A_280 : vector<16xf32>
        %add3A_282 = arith.constant 3 : i32
        %add3A_283 = arith.addi %mul3A_265, %add3A_282 : i32
        %add3A_284 = vector.broadcast %add3A_283 : i32 to vector<16xi32>
        %add3A_285 = arith.addi %mul3A_10, %add3A_284 : vector<16xi32>
        %gather3A_286 = tpu.vector_load_idx %arg8[%add3A_285] : memref<3200xf32, #tpu.memory_space<vmem>>[vector<16xi32>], vector<16xf32>,
        %add3A_287 = arith.addf %add3A_261, %gather3A_286 : vector<16xf32>
        scf.yield %add3A_269, %add3A_275, %add3A_281, %add3A_287 : vector<16xf32>, vector<16xf32>, vector<16xf32>, vector<16xf32>
      }
      %scan3A_70 = arith.constant 50 : i32
      %add3A_71 = arith.addf %scan3A_69#0, %scan3A_69#1 : vector<16xf32>
      %add3A_72 = arith.addf %scan3A_69#2, %scan3A_69#3 : vector<16xf32>
      %add3A_73 = arith.addf %add3A_71, %add3A_72 : vector<16xf32>
      %add3A_74 = arith.addf %add3A_73, %get3A_7 : vector<16xf32>
      %neg3A = arith.constant 0.000000e+00 : f32
      %neg3A_75 = vector.broadcast %neg3A : f32 to vector<16xf32>
      %neg3A_76 = arith.subf %neg3A_75, %add3A_74 : vector<16xf32>
      %exp3A = math.exp %neg3A_76 : vector<16xf32>
      %add3A_77 = arith.constant 1.000000e+00 : f32
      %add3A_78 = vector.broadcast %add3A_77 : f32 to vector<16xf32>
      %add3A_79 = arith.addf %add3A_78, %exp3A : vector<16xf32>
      %div3A = arith.constant 1.000000e+00 : f32
      %div3A_80 = vector.broadcast %div3A : f32 to vector<16xf32>
      %div3A_81 = arith.divf %div3A_80, %add3A_79 : vector<16xf32>
      %mul3A_82 = arith.constant 1.000000e+04 : f32
      %mul3A_83 = vector.broadcast %mul3A_82 : f32 to vector<16xf32>
      %mul3A_84 = arith.mulf %div3A_81, %mul3A_83 : vector<16xf32>
      %add3A_85 = arith.constant 0x4B400000 : f32
      %add3A_86 = vector.broadcast %add3A_85 : f32 to vector<16xf32>
      %add3A_87 = arith.addf %mul3A_84, %add3A_86 : vector<16xf32>
      %sub3A = arith.constant 0x4B400000 : f32
      %sub3A_88 = vector.broadcast %sub3A : f32 to vector<16xf32>
      %sub3A_89 = arith.subf %add3A_87, %sub3A_88 : vector<16xf32>
      %mul3A_90 = arith.constant 9.99999974E-5 : f32
      %mul3A_91 = vector.broadcast %mul3A_90 : f32 to vector<16xf32>
      %mul3A_92 = arith.mulf %sub3A_89, %mul3A_91 : vector<16xf32>
      %mul3A_93 = arith.constant 16 : i32
      %mul3A_94 = arith.muli %mul3A_64, %mul3A_93 : i32
      %swap3A = arith.index_cast %mul3A_94 : i32 to index
      %swap3A_95 = tpu.vector_load %arg11[%swap3A] {strides = array<i32>} : memref<512xf32, #tpu.memory_space<vmem>>, vector<16xf32>,
      tpu.vector_store %arg11[%swap3A], %mul3A_92 {strides = array<i32>} : memref<512xf32, #tpu.memory_space<vmem>>, vector<16xf32>,
      %mul3A_96 = arith.constant 2 : i32
      %mul3A_97 = arith.muli %mul3A_96, %scan3A_41 : i32
      %add3A_98 = arith.constant 2 : i32
      %add3A_99 = arith.addi %mul3A_97, %add3A_98 : i32
      %lt3A_100 = arith.constant 32 : i32
      %lt3A_101 = arith.cmpi slt, %add3A_99, %lt3A_100 : i32
      %convert_element_type3A_102 = arith.extui %lt3A_101 : i1 to i32
      %cond3A_103 = arith.constant 0 : i32
      %cond3A_104 = arith.cmpi ne, %convert_element_type3A_102, %cond3A_103 : i32
      scf.if %cond3A_104 {
        %add3A_156 = arith.constant 2 : i32
        %add3A_157 = arith.addi %add3A_44, %add3A_156 : i32
        %dma_wait3A_158 = arith.constant 0 : i32
        %dma_wait3A_159 = tpu.memref_slice %arg2[%add3A_157, %dma_wait3A_158] : memref<1024x3200xi32, #tpu.memory_space<hbm>> -> memref<1x3200xi32, #tpu.memory_space<hbm>>
        %dma_wait3A_160 = tpu.memref_squeeze %dma_wait3A_159 : memref<1x3200xi32, #tpu.memory_space<hbm>> -> memref<3200xi32, #tpu.memory_space<hbm>>
        %dma_wait3A_161 = arith.constant 0 : i32
        %dma_wait3A_162 = tpu.memref_slice %arg2[%add3A_157, %dma_wait3A_161] : memref<1024x3200xi32, #tpu.memory_space<hbm>> -> memref<1x3200xi32, #tpu.memory_space<hbm>>
        %dma_wait3A_163 = tpu.memref_squeeze %dma_wait3A_162 : memref<1x3200xi32, #tpu.memory_space<hbm>> -> memref<3200xi32, #tpu.memory_space<hbm>>
        tpu.wait_dma2 semaphore(%arg15 : memref<!tpu.dma_semaphore, #tpu.memory_space<semaphore_mem>>) src(%dma_wait3A_163 : memref<3200xi32, #tpu.memory_space<hbm>>) dst(%arg6 : memref<3200xi32, #tpu.memory_space<vmem>>)
        %dma_start3A_164 = arith.constant 0 : i32
        %dma_start3A_165 = tpu.memref_slice %arg12[%dma_start3A_164] : memref<1048576xf32, #tpu.memory_space<vmem_shared>> -> memref<1048576xf32, #tpu.memory_space<vmem_shared>>
        tpu.enqueue_indirect_dma source(%dma_start3A_165 : memref<1048576xf32, #tpu.memory_space<vmem_shared>>) target(%arg8 : memref<3200xf32, #tpu.memory_space<vmem>>) offsets(%arg6 : memref<3200xi32, #tpu.memory_space<vmem>>) semaphore(%arg13 : memref<!tpu.dma_semaphore, #tpu.memory_space<semaphore_mem>>)
      } else {
      }
      %dma_wait3A_105 = arith.constant 0 : i32
      %dma_wait3A_106 = tpu.memref_slice %arg12[%dma_wait3A_105] : memref<1048576xf32, #tpu.memory_space<vmem_shared>> -> memref<1048576xf32, #tpu.memory_space<vmem_shared>>
      tpu.wait_indirect_dma semaphore(%arg14 : memref<!tpu.dma_semaphore, #tpu.memory_space<semaphore_mem>>) src(%dma_wait3A_106 : memref<1048576xf32, #tpu.memory_space<vmem_shared>>) dst(%arg9 : memref<3200xf32, #tpu.memory_space<vmem>>)
      %mul3A_107 = arith.constant 2 : i32
      %mul3A_108 = arith.muli %mul3A_107, %scan3A_41 : i32
      %add3A_109 = arith.constant 3 : i32
      %add3A_110 = arith.addi %mul3A_108, %add3A_109 : i32
      %lt3A_111 = arith.constant 32 : i32
      %lt3A_112 = arith.cmpi slt, %add3A_110, %lt3A_111 : i32
      %convert_element_type3A_113 = arith.extui %lt3A_112 : i1 to i32
      %cond3A_114 = arith.constant 0 : i32
      %cond3A_115 = arith.cmpi ne, %convert_element_type3A_113, %cond3A_114 : i32
      scf.if %cond3A_115 {
        %add3A_156 = arith.constant 3 : i32
        %add3A_157 = arith.addi %add3A_44, %add3A_156 : i32
        %dma_start3A_158 = arith.constant 0 : i32
        %dma_start3A_159 = tpu.memref_slice %arg2[%add3A_157, %dma_start3A_158] : memref<1024x3200xi32, #tpu.memory_space<hbm>> -> memref<1x3200xi32, #tpu.memory_space<hbm>>
        %dma_start3A_160 = tpu.memref_squeeze %dma_start3A_159 : memref<1x3200xi32, #tpu.memory_space<hbm>> -> memref<3200xi32, #tpu.memory_space<hbm>>
        %dma_start3A_161 = arith.constant 0 : i32
        %dma_start3A_162 = tpu.memref_slice %arg2[%add3A_157, %dma_start3A_161] : memref<1024x3200xi32, #tpu.memory_space<hbm>> -> memref<1x3200xi32, #tpu.memory_space<hbm>>
        %dma_start3A_163 = tpu.memref_squeeze %dma_start3A_162 : memref<1x3200xi32, #tpu.memory_space<hbm>> -> memref<3200xi32, #tpu.memory_space<hbm>>
        tpu.enqueue_dma source(%dma_start3A_163 : memref<3200xi32, #tpu.memory_space<hbm>>) target(%arg7 : memref<3200xi32, #tpu.memory_space<vmem>>) target_semaphore(%arg16 : memref<!tpu.dma_semaphore, #tpu.memory_space<semaphore_mem>>)
      } else {
      }
      %mul3A_116 = arith.constant 2 : i32
      %mul3A_117 = arith.muli %mul3A_116, %scan3A_41 : i32
      %add3A_118 = arith.constant 1 : i32
      %add3A_119 = arith.addi %mul3A_117, %add3A_118 : i32
      %scan3A_120 = arith.constant 0 : i32
      %scan3A_121 = arith.constant 50 : i32
      %scan3A_122 = arith.addi %scan3A_120, %scan3A_121 : i32
      %scan3A_123 = arith.constant 5 : i32
      %scan3A_124:4 = scf.for %scan3A_156 = %scan3A_120 to %scan3A_122 step %scan3A_123 iter_args(%scan3A_157 = %broadcast_in_dim3A_11, %scan3A_158 = %broadcast_in_dim3A_11, %scan3A_159 = %broadcast_in_dim3A_11, %scan3A_160 = %broadcast_in_dim3A_11) -> (vector<16xf32>, vector<16xf32>, vector<16xf32>, vector<16xf32>)  : i32 {
        %mul3A_161 = arith.constant 4 : i32
        %mul3A_162 = arith.muli %scan3A_156, %mul3A_161 : i32
        %add3A_163 = vector.broadcast %mul3A_162 : i32 to vector<16xi32>
        %add3A_164 = arith.addi %mul3A_10, %add3A_163 : vector<16xi32>
        %gather3A = tpu.vector_load_idx %arg9[%add3A_164] : memref<3200xf32, #tpu.memory_space<vmem>>[vector<16xi32>], vector<16xf32>,
        %add3A_165 = arith.addf %scan3A_157, %gather3A : vector<16xf32>
        %add3A_166 = arith.constant 1 : i32
        %add3A_167 = arith.addi %mul3A_162, %add3A_166 : i32
        %add3A_168 = vector.broadcast %add3A_167 : i32 to vector<16xi32>
        %add3A_169 = arith.addi %mul3A_10, %add3A_168 : vector<16xi32>
        %gather3A_170 = tpu.vector_load_idx %arg9[%add3A_169] : memref<3200xf32, #tpu.memory_space<vmem>>[vector<16xi32>], vector<16xf32>,
        %add3A_171 = arith.addf %scan3A_158, %gather3A_170 : vector<16xf32>
        %add3A_172 = arith.constant 2 : i32
        %add3A_173 = arith.addi %mul3A_162, %add3A_172 : i32
        %add3A_174 = vector.broadcast %add3A_173 : i32 to vector<16xi32>
        %add3A_175 = arith.addi %mul3A_10, %add3A_174 : vector<16xi32>
        %gather3A_176 = tpu.vector_load_idx %arg9[%add3A_175] : memref<3200xf32, #tpu.memory_space<vmem>>[vector<16xi32>], vector<16xf32>,
        %add3A_177 = arith.addf %scan3A_159, %gather3A_176 : vector<16xf32>
        %add3A_178 = arith.constant 3 : i32
        %add3A_179 = arith.addi %mul3A_162, %add3A_178 : i32
        %add3A_180 = vector.broadcast %add3A_179 : i32 to vector<16xi32>
        %add3A_181 = arith.addi %mul3A_10, %add3A_180 : vector<16xi32>
        %gather3A_182 = tpu.vector_load_idx %arg9[%add3A_181] : memref<3200xf32, #tpu.memory_space<vmem>>[vector<16xi32>], vector<16xf32>,
        %add3A_183 = arith.addf %scan3A_160, %gather3A_182 : vector<16xf32>
        %scan3A_184 = arith.constant 1 : i32
        %scan3A_185 = arith.addi %scan3A_156, %scan3A_184 : i32
        %mul3A_186 = arith.constant 4 : i32
        %mul3A_187 = arith.muli %scan3A_185, %mul3A_186 : i32
        %add3A_188 = vector.broadcast %mul3A_187 : i32 to vector<16xi32>
        %add3A_189 = arith.addi %mul3A_10, %add3A_188 : vector<16xi32>
        %gather3A_190 = tpu.vector_load_idx %arg9[%add3A_189] : memref<3200xf32, #tpu.memory_space<vmem>>[vector<16xi32>], vector<16xf32>,
        %add3A_191 = arith.addf %add3A_165, %gather3A_190 : vector<16xf32>
        %add3A_192 = arith.constant 1 : i32
        %add3A_193 = arith.addi %mul3A_187, %add3A_192 : i32
        %add3A_194 = vector.broadcast %add3A_193 : i32 to vector<16xi32>
        %add3A_195 = arith.addi %mul3A_10, %add3A_194 : vector<16xi32>
        %gather3A_196 = tpu.vector_load_idx %arg9[%add3A_195] : memref<3200xf32, #tpu.memory_space<vmem>>[vector<16xi32>], vector<16xf32>,
        %add3A_197 = arith.addf %add3A_171, %gather3A_196 : vector<16xf32>
        %add3A_198 = arith.constant 2 : i32
        %add3A_199 = arith.addi %mul3A_187, %add3A_198 : i32
        %add3A_200 = vector.broadcast %add3A_199 : i32 to vector<16xi32>
        %add3A_201 = arith.addi %mul3A_10, %add3A_200 : vector<16xi32>
        %gather3A_202 = tpu.vector_load_idx %arg9[%add3A_201] : memref<3200xf32, #tpu.memory_space<vmem>>[vector<16xi32>], vector<16xf32>,
        %add3A_203 = arith.addf %add3A_177, %gather3A_202 : vector<16xf32>
        %add3A_204 = arith.constant 3 : i32
        %add3A_205 = arith.addi %mul3A_187, %add3A_204 : i32
        %add3A_206 = vector.broadcast %add3A_205 : i32 to vector<16xi32>
        %add3A_207 = arith.addi %mul3A_10, %add3A_206 : vector<16xi32>
        %gather3A_208 = tpu.vector_load_idx %arg9[%add3A_207] : memref<3200xf32, #tpu.memory_space<vmem>>[vector<16xi32>], vector<16xf32>,
        %add3A_209 = arith.addf %add3A_183, %gather3A_208 : vector<16xf32>
        %scan3A_210 = arith.constant 2 : i32
        %scan3A_211 = arith.addi %scan3A_156, %scan3A_210 : i32
        %mul3A_212 = arith.constant 4 : i32
        %mul3A_213 = arith.muli %scan3A_211, %mul3A_212 : i32
        %add3A_214 = vector.broadcast %mul3A_213 : i32 to vector<16xi32>
        %add3A_215 = arith.addi %mul3A_10, %add3A_214 : vector<16xi32>
        %gather3A_216 = tpu.vector_load_idx %arg9[%add3A_215] : memref<3200xf32, #tpu.memory_space<vmem>>[vector<16xi32>], vector<16xf32>,
        %add3A_217 = arith.addf %add3A_191, %gather3A_216 : vector<16xf32>
        %add3A_218 = arith.constant 1 : i32
        %add3A_219 = arith.addi %mul3A_213, %add3A_218 : i32
        %add3A_220 = vector.broadcast %add3A_219 : i32 to vector<16xi32>
        %add3A_221 = arith.addi %mul3A_10, %add3A_220 : vector<16xi32>
        %gather3A_222 = tpu.vector_load_idx %arg9[%add3A_221] : memref<3200xf32, #tpu.memory_space<vmem>>[vector<16xi32>], vector<16xf32>,
        %add3A_223 = arith.addf %add3A_197, %gather3A_222 : vector<16xf32>
        %add3A_224 = arith.constant 2 : i32
        %add3A_225 = arith.addi %mul3A_213, %add3A_224 : i32
        %add3A_226 = vector.broadcast %add3A_225 : i32 to vector<16xi32>
        %add3A_227 = arith.addi %mul3A_10, %add3A_226 : vector<16xi32>
        %gather3A_228 = tpu.vector_load_idx %arg9[%add3A_227] : memref<3200xf32, #tpu.memory_space<vmem>>[vector<16xi32>], vector<16xf32>,
        %add3A_229 = arith.addf %add3A_203, %gather3A_228 : vector<16xf32>
        %add3A_230 = arith.constant 3 : i32
        %add3A_231 = arith.addi %mul3A_213, %add3A_230 : i32
        %add3A_232 = vector.broadcast %add3A_231 : i32 to vector<16xi32>
        %add3A_233 = arith.addi %mul3A_10, %add3A_232 : vector<16xi32>
        %gather3A_234 = tpu.vector_load_idx %arg9[%add3A_233] : memref<3200xf32, #tpu.memory_space<vmem>>[vector<16xi32>], vector<16xf32>,
        %add3A_235 = arith.addf %add3A_209, %gather3A_234 : vector<16xf32>
        %scan3A_236 = arith.constant 3 : i32
        %scan3A_237 = arith.addi %scan3A_156, %scan3A_236 : i32
        %mul3A_238 = arith.constant 4 : i32
        %mul3A_239 = arith.muli %scan3A_237, %mul3A_238 : i32
        %add3A_240 = vector.broadcast %mul3A_239 : i32 to vector<16xi32>
        %add3A_241 = arith.addi %mul3A_10, %add3A_240 : vector<16xi32>
        %gather3A_242 = tpu.vector_load_idx %arg9[%add3A_241] : memref<3200xf32, #tpu.memory_space<vmem>>[vector<16xi32>], vector<16xf32>,
        %add3A_243 = arith.addf %add3A_217, %gather3A_242 : vector<16xf32>
        %add3A_244 = arith.constant 1 : i32
        %add3A_245 = arith.addi %mul3A_239, %add3A_244 : i32
        %add3A_246 = vector.broadcast %add3A_245 : i32 to vector<16xi32>
        %add3A_247 = arith.addi %mul3A_10, %add3A_246 : vector<16xi32>
        %gather3A_248 = tpu.vector_load_idx %arg9[%add3A_247] : memref<3200xf32, #tpu.memory_space<vmem>>[vector<16xi32>], vector<16xf32>,
        %add3A_249 = arith.addf %add3A_223, %gather3A_248 : vector<16xf32>
        %add3A_250 = arith.constant 2 : i32
        %add3A_251 = arith.addi %mul3A_239, %add3A_250 : i32
        %add3A_252 = vector.broadcast %add3A_251 : i32 to vector<16xi32>
        %add3A_253 = arith.addi %mul3A_10, %add3A_252 : vector<16xi32>
        %gather3A_254 = tpu.vector_load_idx %arg9[%add3A_253] : memref<3200xf32, #tpu.memory_space<vmem>>[vector<16xi32>], vector<16xf32>,
        %add3A_255 = arith.addf %add3A_229, %gather3A_254 : vector<16xf32>
        %add3A_256 = arith.constant 3 : i32
        %add3A_257 = arith.addi %mul3A_239, %add3A_256 : i32
        %add3A_258 = vector.broadcast %add3A_257 : i32 to vector<16xi32>
        %add3A_259 = arith.addi %mul3A_10, %add3A_258 : vector<16xi32>
        %gather3A_260 = tpu.vector_load_idx %arg9[%add3A_259] : memref<3200xf32, #tpu.memory_space<vmem>>[vector<16xi32>], vector<16xf32>,
        %add3A_261 = arith.addf %add3A_235, %gather3A_260 : vector<16xf32>
        %scan3A_262 = arith.constant 4 : i32
        %scan3A_263 = arith.addi %scan3A_156, %scan3A_262 : i32
        %mul3A_264 = arith.constant 4 : i32
        %mul3A_265 = arith.muli %scan3A_263, %mul3A_264 : i32
        %add3A_266 = vector.broadcast %mul3A_265 : i32 to vector<16xi32>
        %add3A_267 = arith.addi %mul3A_10, %add3A_266 : vector<16xi32>
        %gather3A_268 = tpu.vector_load_idx %arg9[%add3A_267] : memref<3200xf32, #tpu.memory_space<vmem>>[vector<16xi32>], vector<16xf32>,
        %add3A_269 = arith.addf %add3A_243, %gather3A_268 : vector<16xf32>
        %add3A_270 = arith.constant 1 : i32
        %add3A_271 = arith.addi %mul3A_265, %add3A_270 : i32
        %add3A_272 = vector.broadcast %add3A_271 : i32 to vector<16xi32>
        %add3A_273 = arith.addi %mul3A_10, %add3A_272 : vector<16xi32>
        %gather3A_274 = tpu.vector_load_idx %arg9[%add3A_273] : memref<3200xf32, #tpu.memory_space<vmem>>[vector<16xi32>], vector<16xf32>,
        %add3A_275 = arith.addf %add3A_249, %gather3A_274 : vector<16xf32>
        %add3A_276 = arith.constant 2 : i32
        %add3A_277 = arith.addi %mul3A_265, %add3A_276 : i32
        %add3A_278 = vector.broadcast %add3A_277 : i32 to vector<16xi32>
        %add3A_279 = arith.addi %mul3A_10, %add3A_278 : vector<16xi32>
        %gather3A_280 = tpu.vector_load_idx %arg9[%add3A_279] : memref<3200xf32, #tpu.memory_space<vmem>>[vector<16xi32>], vector<16xf32>,
        %add3A_281 = arith.addf %add3A_255, %gather3A_280 : vector<16xf32>
        %add3A_282 = arith.constant 3 : i32
        %add3A_283 = arith.addi %mul3A_265, %add3A_282 : i32
        %add3A_284 = vector.broadcast %add3A_283 : i32 to vector<16xi32>
        %add3A_285 = arith.addi %mul3A_10, %add3A_284 : vector<16xi32>
        %gather3A_286 = tpu.vector_load_idx %arg9[%add3A_285] : memref<3200xf32, #tpu.memory_space<vmem>>[vector<16xi32>], vector<16xf32>,
        %add3A_287 = arith.addf %add3A_261, %gather3A_286 : vector<16xf32>
        scf.yield %add3A_269, %add3A_275, %add3A_281, %add3A_287 : vector<16xf32>, vector<16xf32>, vector<16xf32>, vector<16xf32>
      }
      %scan3A_125 = arith.constant 50 : i32
      %add3A_126 = arith.addf %scan3A_124#0, %scan3A_124#1 : vector<16xf32>
      %add3A_127 = arith.addf %scan3A_124#2, %scan3A_124#3 : vector<16xf32>
      %add3A_128 = arith.addf %add3A_126, %add3A_127 : vector<16xf32>
      %add3A_129 = arith.addf %add3A_128, %get3A_7 : vector<16xf32>
      %neg3A_130 = arith.constant 0.000000e+00 : f32
      %neg3A_131 = vector.broadcast %neg3A_130 : f32 to vector<16xf32>
      %neg3A_132 = arith.subf %neg3A_131, %add3A_129 : vector<16xf32>
      %exp3A_133 = math.exp %neg3A_132 : vector<16xf32>
      %add3A_134 = arith.constant 1.000000e+00 : f32
      %add3A_135 = vector.broadcast %add3A_134 : f32 to vector<16xf32>
      %add3A_136 = arith.addf %add3A_135, %exp3A_133 : vector<16xf32>
      %div3A_137 = arith.constant 1.000000e+00 : f32
      %div3A_138 = vector.broadcast %div3A_137 : f32 to vector<16xf32>
      %div3A_139 = arith.divf %div3A_138, %add3A_136 : vector<16xf32>
      %mul3A_140 = arith.constant 1.000000e+04 : f32
      %mul3A_141 = vector.broadcast %mul3A_140 : f32 to vector<16xf32>
      %mul3A_142 = arith.mulf %div3A_139, %mul3A_141 : vector<16xf32>
      %add3A_143 = arith.constant 0x4B400000 : f32
      %add3A_144 = vector.broadcast %add3A_143 : f32 to vector<16xf32>
      %add3A_145 = arith.addf %mul3A_142, %add3A_144 : vector<16xf32>
      %sub3A_146 = arith.constant 0x4B400000 : f32
      %sub3A_147 = vector.broadcast %sub3A_146 : f32 to vector<16xf32>
      %sub3A_148 = arith.subf %add3A_145, %sub3A_147 : vector<16xf32>
      %mul3A_149 = arith.constant 9.99999974E-5 : f32
      %mul3A_150 = vector.broadcast %mul3A_149 : f32 to vector<16xf32>
      %mul3A_151 = arith.mulf %sub3A_148, %mul3A_150 : vector<16xf32>
      %mul3A_152 = arith.constant 16 : i32
      %mul3A_153 = arith.muli %add3A_119, %mul3A_152 : i32
      %swap3A_154 = arith.index_cast %mul3A_153 : i32 to index
      %swap3A_155 = tpu.vector_load %arg11[%swap3A_154] {strides = array<i32>} : memref<512xf32, #tpu.memory_space<vmem>>, vector<16xf32>,
      tpu.vector_store %arg11[%swap3A_154], %mul3A_151 {strides = array<i32>} : memref<512xf32, #tpu.memory_space<vmem>>, vector<16xf32>,
    }
    %scan3A_38 = arith.constant 16 : i32
    %mul3A_39 = arith.constant 16 : i32
    %mul3A_40 = arith.muli %mul3A_13, %mul3A_39 : i32
    "tpu.region"() ({
      %run_scoped3A = tpu.sem_alloc : memref<!tpu.dma_semaphore, #tpu.memory_space<semaphore_mem>>
      %dma_start3A_41 = tpu.memref_slice %arg5[%mul3A_40] : memref<16384xf32, #tpu.memory_space<hbm>> -> memref<512xf32, #tpu.memory_space<hbm>>
      %dma_start3A_42 = tpu.memref_slice %arg5[%mul3A_40] : memref<16384xf32, #tpu.memory_space<hbm>> -> memref<512xf32, #tpu.memory_space<hbm>>
      tpu.enqueue_dma source(%arg11 : memref<512xf32, #tpu.memory_space<vmem>>) target(%dma_start3A_42 : memref<512xf32, #tpu.memory_space<hbm>>) target_semaphore(%run_scoped3A : memref<!tpu.dma_semaphore, #tpu.memory_space<semaphore_mem>>)
      %dma_wait3A_43 = tpu.memref_slice %arg5[%mul3A_40] : memref<16384xf32, #tpu.memory_space<hbm>> -> memref<512xf32, #tpu.memory_space<hbm>>
      %dma_wait3A_44 = tpu.memref_slice %arg5[%mul3A_40] : memref<16384xf32, #tpu.memory_space<hbm>> -> memref<512xf32, #tpu.memory_space<hbm>>
      tpu.wait_dma2 semaphore(%run_scoped3A : memref<!tpu.dma_semaphore, #tpu.memory_space<semaphore_mem>>) src(%arg11 : memref<512xf32, #tpu.memory_space<vmem>>) dst(%dma_wait3A_44 : memref<512xf32, #tpu.memory_space<hbm>>)
      tpu.yield
    }) : () -> ()
    return
  }
}

module attributes {stable_mosaic.version = 14 : i64} {
  func.func @_tw_body(%arg0: i32, %arg1: memref<2x16xf32, #tpu.memory_space<smem>>, %arg2: memref<16x131072xf32, #tpu.memory_space<vmem>>, %arg3: memref<131072xf32, #tpu.memory_space<vmem>>) attributes {dimension_semantics = [#tpu.dimension_semantics<arbitrary>], iteration_bounds = array<i64: 8>, scalar_prefetch = 0 : i64, scratch_operands = 0 : i64, tpu.core_type = #tpu.core_type<tc>, window_params = [{transform_indices = @transform_0, window_bounds = array<i64: 2, 16>}, {transform_indices = @transform_1, window_bounds = array<i64: 16, 131072>}, {transform_indices = @transform_2, window_bounds = array<i64: 131072>}]} {
    %get3A = arith.constant 0 : index
    %get3A_0 = arith.constant 0 : index
    %get3A_1 = vector.load %arg2[%get3A, %get3A_0] : memref<16x131072xf32, #tpu.memory_space<vmem>>, vector<1x131072xf32>
    %get3A_2 = vector.shape_cast %get3A_1 : vector<1x131072xf32> to vector<131072xf32>
    %get3A_3 = arith.constant 0 : index
    %get3A_4 = arith.constant 0 : index
    %get3A_5 = memref.load %arg1[%get3A_3, %get3A_4] : memref<2x16xf32, #tpu.memory_space<smem>>
    %mul3A = vector.broadcast %get3A_5 : f32 to vector<131072xf32>
    %mul3A_6 = arith.mulf %get3A_2, %mul3A : vector<131072xf32>
    %get3A_7 = arith.constant 1 : index
    %get3A_8 = arith.constant 0 : index
    %get3A_9 = vector.load %arg2[%get3A_7, %get3A_8] : memref<16x131072xf32, #tpu.memory_space<vmem>>, vector<1x131072xf32>
    %get3A_10 = vector.shape_cast %get3A_9 : vector<1x131072xf32> to vector<131072xf32>
    %get3A_11 = arith.constant 0 : index
    %get3A_12 = arith.constant 1 : index
    %get3A_13 = memref.load %arg1[%get3A_11, %get3A_12] : memref<2x16xf32, #tpu.memory_space<smem>>
    %mul3A_14 = vector.broadcast %get3A_13 : f32 to vector<131072xf32>
    %mul3A_15 = arith.mulf %get3A_10, %mul3A_14 : vector<131072xf32>
    %add3A = arith.addf %mul3A_6, %mul3A_15 : vector<131072xf32>
    %get3A_16 = arith.constant 2 : index
    %get3A_17 = arith.constant 0 : index
    %get3A_18 = vector.load %arg2[%get3A_16, %get3A_17] : memref<16x131072xf32, #tpu.memory_space<vmem>>, vector<1x131072xf32>
    %get3A_19 = vector.shape_cast %get3A_18 : vector<1x131072xf32> to vector<131072xf32>
    %get3A_20 = arith.constant 0 : index
    %get3A_21 = arith.constant 2 : index
    %get3A_22 = memref.load %arg1[%get3A_20, %get3A_21] : memref<2x16xf32, #tpu.memory_space<smem>>
    %mul3A_23 = vector.broadcast %get3A_22 : f32 to vector<131072xf32>
    %mul3A_24 = arith.mulf %get3A_19, %mul3A_23 : vector<131072xf32>
    %add3A_25 = arith.addf %add3A, %mul3A_24 : vector<131072xf32>
    %get3A_26 = arith.constant 3 : index
    %get3A_27 = arith.constant 0 : index
    %get3A_28 = vector.load %arg2[%get3A_26, %get3A_27] : memref<16x131072xf32, #tpu.memory_space<vmem>>, vector<1x131072xf32>
    %get3A_29 = vector.shape_cast %get3A_28 : vector<1x131072xf32> to vector<131072xf32>
    %get3A_30 = arith.constant 0 : index
    %get3A_31 = arith.constant 3 : index
    %get3A_32 = memref.load %arg1[%get3A_30, %get3A_31] : memref<2x16xf32, #tpu.memory_space<smem>>
    %mul3A_33 = vector.broadcast %get3A_32 : f32 to vector<131072xf32>
    %mul3A_34 = arith.mulf %get3A_29, %mul3A_33 : vector<131072xf32>
    %add3A_35 = arith.addf %add3A_25, %mul3A_34 : vector<131072xf32>
    %get3A_36 = arith.constant 4 : index
    %get3A_37 = arith.constant 0 : index
    %get3A_38 = vector.load %arg2[%get3A_36, %get3A_37] : memref<16x131072xf32, #tpu.memory_space<vmem>>, vector<1x131072xf32>
    %get3A_39 = vector.shape_cast %get3A_38 : vector<1x131072xf32> to vector<131072xf32>
    %get3A_40 = arith.constant 0 : index
    %get3A_41 = arith.constant 4 : index
    %get3A_42 = memref.load %arg1[%get3A_40, %get3A_41] : memref<2x16xf32, #tpu.memory_space<smem>>
    %mul3A_43 = vector.broadcast %get3A_42 : f32 to vector<131072xf32>
    %mul3A_44 = arith.mulf %get3A_39, %mul3A_43 : vector<131072xf32>
    %add3A_45 = arith.addf %add3A_35, %mul3A_44 : vector<131072xf32>
    %get3A_46 = arith.constant 5 : index
    %get3A_47 = arith.constant 0 : index
    %get3A_48 = vector.load %arg2[%get3A_46, %get3A_47] : memref<16x131072xf32, #tpu.memory_space<vmem>>, vector<1x131072xf32>
    %get3A_49 = vector.shape_cast %get3A_48 : vector<1x131072xf32> to vector<131072xf32>
    %get3A_50 = arith.constant 0 : index
    %get3A_51 = arith.constant 5 : index
    %get3A_52 = memref.load %arg1[%get3A_50, %get3A_51] : memref<2x16xf32, #tpu.memory_space<smem>>
    %mul3A_53 = vector.broadcast %get3A_52 : f32 to vector<131072xf32>
    %mul3A_54 = arith.mulf %get3A_49, %mul3A_53 : vector<131072xf32>
    %add3A_55 = arith.addf %add3A_45, %mul3A_54 : vector<131072xf32>
    %get3A_56 = arith.constant 6 : index
    %get3A_57 = arith.constant 0 : index
    %get3A_58 = vector.load %arg2[%get3A_56, %get3A_57] : memref<16x131072xf32, #tpu.memory_space<vmem>>, vector<1x131072xf32>
    %get3A_59 = vector.shape_cast %get3A_58 : vector<1x131072xf32> to vector<131072xf32>
    %get3A_60 = arith.constant 0 : index
    %get3A_61 = arith.constant 6 : index
    %get3A_62 = memref.load %arg1[%get3A_60, %get3A_61] : memref<2x16xf32, #tpu.memory_space<smem>>
    %mul3A_63 = vector.broadcast %get3A_62 : f32 to vector<131072xf32>
    %mul3A_64 = arith.mulf %get3A_59, %mul3A_63 : vector<131072xf32>
    %add3A_65 = arith.addf %add3A_55, %mul3A_64 : vector<131072xf32>
    %get3A_66 = arith.constant 7 : index
    %get3A_67 = arith.constant 0 : index
    %get3A_68 = vector.load %arg2[%get3A_66, %get3A_67] : memref<16x131072xf32, #tpu.memory_space<vmem>>, vector<1x131072xf32>
    %get3A_69 = vector.shape_cast %get3A_68 : vector<1x131072xf32> to vector<131072xf32>
    %get3A_70 = arith.constant 0 : index
    %get3A_71 = arith.constant 7 : index
    %get3A_72 = memref.load %arg1[%get3A_70, %get3A_71] : memref<2x16xf32, #tpu.memory_space<smem>>
    %mul3A_73 = vector.broadcast %get3A_72 : f32 to vector<131072xf32>
    %mul3A_74 = arith.mulf %get3A_69, %mul3A_73 : vector<131072xf32>
    %add3A_75 = arith.addf %add3A_65, %mul3A_74 : vector<131072xf32>
    %get3A_76 = arith.constant 8 : index
    %get3A_77 = arith.constant 0 : index
    %get3A_78 = vector.load %arg2[%get3A_76, %get3A_77] : memref<16x131072xf32, #tpu.memory_space<vmem>>, vector<1x131072xf32>
    %get3A_79 = vector.shape_cast %get3A_78 : vector<1x131072xf32> to vector<131072xf32>
    %get3A_80 = arith.constant 0 : index
    %get3A_81 = arith.constant 8 : index
    %get3A_82 = memref.load %arg1[%get3A_80, %get3A_81] : memref<2x16xf32, #tpu.memory_space<smem>>
    %mul3A_83 = vector.broadcast %get3A_82 : f32 to vector<131072xf32>
    %mul3A_84 = arith.mulf %get3A_79, %mul3A_83 : vector<131072xf32>
    %add3A_85 = arith.addf %add3A_75, %mul3A_84 : vector<131072xf32>
    %get3A_86 = arith.constant 9 : index
    %get3A_87 = arith.constant 0 : index
    %get3A_88 = vector.load %arg2[%get3A_86, %get3A_87] : memref<16x131072xf32, #tpu.memory_space<vmem>>, vector<1x131072xf32>
    %get3A_89 = vector.shape_cast %get3A_88 : vector<1x131072xf32> to vector<131072xf32>
    %get3A_90 = arith.constant 0 : index
    %get3A_91 = arith.constant 9 : index
    %get3A_92 = memref.load %arg1[%get3A_90, %get3A_91] : memref<2x16xf32, #tpu.memory_space<smem>>
    %mul3A_93 = vector.broadcast %get3A_92 : f32 to vector<131072xf32>
    %mul3A_94 = arith.mulf %get3A_89, %mul3A_93 : vector<131072xf32>
    %add3A_95 = arith.addf %add3A_85, %mul3A_94 : vector<131072xf32>
    %get3A_96 = arith.constant 10 : index
    %get3A_97 = arith.constant 0 : index
    %get3A_98 = vector.load %arg2[%get3A_96, %get3A_97] : memref<16x131072xf32, #tpu.memory_space<vmem>>, vector<1x131072xf32>
    %get3A_99 = vector.shape_cast %get3A_98 : vector<1x131072xf32> to vector<131072xf32>
    %get3A_100 = arith.constant 0 : index
    %get3A_101 = arith.constant 10 : index
    %get3A_102 = memref.load %arg1[%get3A_100, %get3A_101] : memref<2x16xf32, #tpu.memory_space<smem>>
    %mul3A_103 = vector.broadcast %get3A_102 : f32 to vector<131072xf32>
    %mul3A_104 = arith.mulf %get3A_99, %mul3A_103 : vector<131072xf32>
    %add3A_105 = arith.addf %add3A_95, %mul3A_104 : vector<131072xf32>
    %get3A_106 = arith.constant 11 : index
    %get3A_107 = arith.constant 0 : index
    %get3A_108 = vector.load %arg2[%get3A_106, %get3A_107] : memref<16x131072xf32, #tpu.memory_space<vmem>>, vector<1x131072xf32>
    %get3A_109 = vector.shape_cast %get3A_108 : vector<1x131072xf32> to vector<131072xf32>
    %get3A_110 = arith.constant 0 : index
    %get3A_111 = arith.constant 11 : index
    %get3A_112 = memref.load %arg1[%get3A_110, %get3A_111] : memref<2x16xf32, #tpu.memory_space<smem>>
    %mul3A_113 = vector.broadcast %get3A_112 : f32 to vector<131072xf32>
    %mul3A_114 = arith.mulf %get3A_109, %mul3A_113 : vector<131072xf32>
    %add3A_115 = arith.addf %add3A_105, %mul3A_114 : vector<131072xf32>
    %get3A_116 = arith.constant 12 : index
    %get3A_117 = arith.constant 0 : index
    %get3A_118 = vector.load %arg2[%get3A_116, %get3A_117] : memref<16x131072xf32, #tpu.memory_space<vmem>>, vector<1x131072xf32>
    %get3A_119 = vector.shape_cast %get3A_118 : vector<1x131072xf32> to vector<131072xf32>
    %get3A_120 = arith.constant 0 : index
    %get3A_121 = arith.constant 12 : index
    %get3A_122 = memref.load %arg1[%get3A_120, %get3A_121] : memref<2x16xf32, #tpu.memory_space<smem>>
    %mul3A_123 = vector.broadcast %get3A_122 : f32 to vector<131072xf32>
    %mul3A_124 = arith.mulf %get3A_119, %mul3A_123 : vector<131072xf32>
    %add3A_125 = arith.addf %add3A_115, %mul3A_124 : vector<131072xf32>
    %get3A_126 = arith.constant 13 : index
    %get3A_127 = arith.constant 0 : index
    %get3A_128 = vector.load %arg2[%get3A_126, %get3A_127] : memref<16x131072xf32, #tpu.memory_space<vmem>>, vector<1x131072xf32>
    %get3A_129 = vector.shape_cast %get3A_128 : vector<1x131072xf32> to vector<131072xf32>
    %get3A_130 = arith.constant 0 : index
    %get3A_131 = arith.constant 13 : index
    %get3A_132 = memref.load %arg1[%get3A_130, %get3A_131] : memref<2x16xf32, #tpu.memory_space<smem>>
    %mul3A_133 = vector.broadcast %get3A_132 : f32 to vector<131072xf32>
    %mul3A_134 = arith.mulf %get3A_129, %mul3A_133 : vector<131072xf32>
    %add3A_135 = arith.addf %add3A_125, %mul3A_134 : vector<131072xf32>
    %get3A_136 = arith.constant 14 : index
    %get3A_137 = arith.constant 0 : index
    %get3A_138 = vector.load %arg2[%get3A_136, %get3A_137] : memref<16x131072xf32, #tpu.memory_space<vmem>>, vector<1x131072xf32>
    %get3A_139 = vector.shape_cast %get3A_138 : vector<1x131072xf32> to vector<131072xf32>
    %get3A_140 = arith.constant 0 : index
    %get3A_141 = arith.constant 14 : index
    %get3A_142 = memref.load %arg1[%get3A_140, %get3A_141] : memref<2x16xf32, #tpu.memory_space<smem>>
    %mul3A_143 = vector.broadcast %get3A_142 : f32 to vector<131072xf32>
    %mul3A_144 = arith.mulf %get3A_139, %mul3A_143 : vector<131072xf32>
    %add3A_145 = arith.addf %add3A_135, %mul3A_144 : vector<131072xf32>
    %get3A_146 = arith.constant 15 : index
    %get3A_147 = arith.constant 0 : index
    %get3A_148 = vector.load %arg2[%get3A_146, %get3A_147] : memref<16x131072xf32, #tpu.memory_space<vmem>>, vector<1x131072xf32>
    %get3A_149 = vector.shape_cast %get3A_148 : vector<1x131072xf32> to vector<131072xf32>
    %get3A_150 = arith.constant 0 : index
    %get3A_151 = arith.constant 15 : index
    %get3A_152 = memref.load %arg1[%get3A_150, %get3A_151] : memref<2x16xf32, #tpu.memory_space<smem>>
    %mul3A_153 = vector.broadcast %get3A_152 : f32 to vector<131072xf32>
    %mul3A_154 = arith.mulf %get3A_149, %mul3A_153 : vector<131072xf32>
    %add3A_155 = arith.addf %add3A_145, %mul3A_154 : vector<131072xf32>
    %swap3A = arith.constant 0 : index
    %swap3A_156 = vector.load %arg3[%swap3A] : memref<131072xf32, #tpu.memory_space<vmem>>, vector<131072xf32>
    tpu.vector_store %arg3[%swap3A], %add3A_155 {strides = array<i32>} : memref<131072xf32, #tpu.memory_space<vmem>>, vector<131072xf32>,
    return
  }
  func.func @transform_0(%arg0: i32) -> (i32, i32) {
    %c0_i32 = arith.constant 0 : i32
    %c0_i32_0 = arith.constant 0 : i32
    %c0_i32_1 = arith.constant 0 : i32
    return %c0_i32, %c0_i32_0 : i32, i32
  }
  func.func @transform_1(%arg0: i32) -> (i32, i32) {
    %c0_i32 = arith.constant 0 : i32
    %c0_i32_0 = arith.constant 0 : i32
    return %c0_i32, %arg0 : i32, i32
  }
  func.func @transform_2(%arg0: i32) -> i32 {
    %c0_i32 = arith.constant 0 : i32
    return %arg0 : i32
  }
}

</mosaic_0001>

<sc_bundles>
// kernel: kernel.4.cloned.1.call-start
scs
__scs_entry_jumppad:
0x0: {  	(pc) =	sbr.rel $0x88, $3  }
0x1: {  	(tag) =	ssettag $0x0;
	lr =	simm.s32 $0x1  }
0x2: {  	[smem:$0x3F9D] =	sst lr;
	_ =	strace $0xD0000000  }
0x3: {  	_ = 	snop  }
0x4: {  	_ = 	snop  }
0x5: {  	_ = 	snop  }
0x6: {  	_ = 	snop  }
0x7: {  	_ = 	snop  }
__scs_overlays_trampoline_lowered:
0x8: {  	[smem:$0x3FAC] =	sst s0  }
0x9: {  	[smem:$0x3FAD] =	sst s1  }
0xa: {  	[smem:$0x3FAE] =	sst s2  }
0xb: {  	[smem:$0x3FAF] =	sst s3  }
0xc: {  	[smem:$0x3FB0] =	sst s4  }
0xd: {  	[smem:$0x3FB1] =	sst s5  }
0xe: {  	[smem:$0x3FB2] =	sst s6  }
0xf: {  	[smem:$0x3FB3] =	sst s7  }
0x10: {  	[smem:$0x3FB4] =	sst s8  }
0x11: {  	[smem:$0x3FB5] =	sst s9;
	s0 =	simm.s32 @!p0 $0x0  }
0x12: {  	s1 =	sld [smem:$0x3F9B];
	s0 =	simm.s32 @p0 $0x1  }
0x13: {  	[smem:$0x3FB6] =	sst s0;
	s0 =	simm.s32 @!p1 $0x0  }
0x14: {  	s2 =	sld [smem:$0x3F9A];
	s0 =	simm.s32 @p1 $0x1  }
0x15: {  	[smem:$0x3FB7] =	sst s0;
	s0 =	simm.s32 @!p2 $0x0  }
0x16: {  	s3 =	sld [smem:$0x3FDB];
	s0 =	simm.s32 @p2 $0x1  }
0x17: {  	s4 =	simm.s32 $0x1BF5;
	[smem:$0x3FB9] =	sst s0  }
0x18: {  	s0 =	sld [smem:$0x3F9C];
	_ =	swait.ge [sflag:s4], $0x0  }
0x19: {  	s7 =	sld [smem:$0x3F9D]  }
0x1a: {  	s8 =	sadd.s32 $0xFFFFE003, lr  }
0x1b: {  	s9 =	sadd.s32 $0xFFFFFEF7, lr;
	s5 =	simm.s32 $0xFFFFFFFF;
	p2 =	slt.u32 s8, $0xFFFFF086  }
0x1c: {  	p1 =	slt.u32 s9, $0xF7A;
	s5 =	simm.s32 @!p2 $0x0  }
0x1d: {  	s5 =	simm.s32 @p1 $0x1;
	p0 =	seq.s32 s7, s2  }
0x1e: {  	s7 =	smul.u32 @!p0 $0xF7A, s2;
	p2 =	seq.s32 @!p0 s5, $0x0  }
0x1f: {  	s9 =	smul.u32 $0xF7A, s1;
	s8 =	simm.s32 @!p0 $0x1BF5;
	p2 =	por !p2, p0  }
0x20: {  	[sflag:s8] =	ssyncset.s32 @!p0 $0xFFFFF086;
	s6 =	sadd.s32 @!p0 s3, s7;
	s7 =	simm.s32 @!p0 $0x108  }
0x21: {  	s3 =	sadd.s32 s3, s9;
	s6 =	sadd.s32 @!p0 $0x88, s6;
	s7 =	simm.s32 @p2 $0x1082  }
0x22: {  	[simem:s7], [sflag:s8] =	dma.local @!p0 [hbm:s6], $0xF7A  }
0x23: {  	s9 =	sor.u32 $0xD0000000, s2;
	s6 =	simm.s32 $0x108;
	_ =	swait.ge @!p0 [sflag:s8], $0x0  }
0x24: {  	s3 =	sadd.s32 $0x88, s3;
	s6 =	simm.s32 @!p1 $0x1082;
	[sflag:s4] =	ssyncset.s32 $0xFFFFF086  }
0x25: {  	[simem:s6], [sflag:s4] =	dma.local [hbm:s3], $0xF7A  }
0x26: {  	[smem:$0x3F9D] =	sst s1;
	(tag) =	ssettag s2;
	_ =	strace s9  }
0x27: {  	s1 =	sld [smem:$0x3FAD]  }
0x28: {  	s2 =	sld [smem:$0x3FAE]  }
0x29: {  	s4 =	sld [smem:$0x3FB0]  }
0x2a: {  	p0 =	seq.s32 s5, $0x0;
	s5 =	sld [smem:$0x3FB1]  }
0x2b: {  	s6 =	sld [smem:$0x3FB2]  }
0x2c: {  	s7 =	sld [smem:$0x3FB3]  }
0x2d: {  	s3 =	simm.s32 $0x108;
	s8 =	sld [smem:$0x3FB4]  }
0x2e: {  	s3 =	simm.s32 @!p0 $0x1082;
	s9 =	sld [smem:$0x3FB5]  }
0x2f: {  	lr =	sadd.s32 s0, s3;
	s0 =	sld [smem:$0x3FAC]  }
0x30: {  	s3 =	sld [smem:$0x3FAF]  }
0x31: {  	[smem:$0x3FB8] =	sst s10  }
0x32: {  	s10 =	sld [smem:$0x3FB6];
	_ =	sdelay $0x3  }
0x33: {  	p0 =	seq.s32 s10, $0x1;
	s10 =	sld [smem:$0x3FB8];
	_ =	sdelay $0x3  }
0x34: {  	[smem:$0x3FB8] =	sst s10  }
0x35: {  	s10 =	sld [smem:$0x3FB7];
	_ =	sdelay $0x3  }
0x36: {  	p1 =	seq.s32 s10, $0x1;
	s10 =	sld [smem:$0x3FB8];
	_ =	sdelay $0x3  }
0x37: {  	[smem:$0x3FB8] =	sst s10  }
0x38: {  	s10 =	sld [smem:$0x3FB9]  }
0x39: {  	_ = 	snop;
	(pc) =	sbr.ind lr, $3  }
0x3a: {  	_ = 	snop  }
0x3b: {  	_ = 	snop  }
0x3c: {  	p2 =	seq.s32 s10, $0x1;
	s10 =	sld [smem:$0x3FB8]  }
0x3d: {  	_ =	shalt  }
0x3e: {  	_ =	shalt  }
0x3f: {  	_ =	shalt  }
0x40: {  	_ =	shalt  }
0x41: {  	_ =	shalt  }
0x42: {  	_ =	shalt  }
0x43: {  	_ =	shalt  }
0x44: {  	_ =	shalt  }
0x45: {  	_ =	shalt  }
0x46: {  	_ =	shalt  }
0x47: {  	_ =	shalt  }
0x48: {  	_ =	shalt  }
0x49: {  	_ =	shalt  }
0x4a: {  	_ =	shalt  }
0x4b: {  	_ =	shalt  }
0x4c: {  	_ =	shalt  }
0x4d: {  	_ =	shalt  }
0x4e: {  	_ =	shalt  }
0x4f: {  	_ =	shalt  }
0x50: {  	_ =	shalt  }
0x51: {  	_ =	shalt  }
0x52: {  	_ =	shalt  }
0x53: {  	_ =	shalt  }
0x54: {  	_ =	shalt  }
0x55: {  	_ =	shalt  }
0x56: {  	_ =	shalt  }
0x57: {  	_ =	shalt  }
0x58: {  	_ =	shalt  }
0x59: {  	_ =	shalt  }
0x5a: {  	_ =	shalt  }
0x5b: {  	_ =	shalt  }
0x5c: {  	_ =	shalt  }
0x5d: {  	_ =	shalt  }
0x5e: {  	_ =	shalt  }
0x5f: {  	_ =	shalt  }
0x60: {  	_ =	shalt  }
0x61: {  	_ =	shalt  }
0x62: {  	_ =	shalt  }
0x63: {  	_ =	shalt  }
0x64: {  	_ =	shalt  }
0x65: {  	_ =	shalt  }
0x66: {  	_ =	shalt  }
0x67: {  	_ =	shalt  }
0x68: {  	_ =	shalt  }
0x69: {  	_ =	shalt  }
0x6a: {  	_ =	shalt  }
0x6b: {  	_ =	shalt  }
0x6c: {  	_ =	shalt  }
0x6d: {  	_ =	shalt  }
0x6e: {  	_ =	shalt  }
0x6f: {  	_ =	shalt  }
0x70: {  	_ =	shalt  }
0x71: {  	_ =	shalt  }
0x72: {  	_ =	shalt  }
0x73: {  	_ =	shalt  }
0x74: {  	_ =	shalt  }
0x75: {  	_ =	shalt  }
0x76: {  	_ =	shalt  }
0x77: {  	_ =	shalt  }
0x78: {  	_ =	shalt  }
0x79: {  	_ =	shalt  }
0x7a: {  	_ =	shalt  }
0x7b: {  	_ =	shalt  }
0x7c: {  	_ =	shalt  }
0x7d: {  	_ =	shalt  }
0x7e: {  	_ =	shalt  }
0x7f: {  	_ =	shalt  }
0x80: {  	_ =	shalt  }
0x81: {  	_ =	shalt  }
0x82: {  	_ =	shalt  }
0x83: {  	_ =	shalt  }
0x84: {  	_ =	shalt  }
0x85: {  	_ =	shalt  }
0x86: {  	_ =	shalt  }
0x87: {  	_ =	shalt  }
.Lfunc_end0:
.L_simem_size_0:
called_computation_lowered:
.L_overlay_start_0:
0x88: {  	s2 =	sld [smem:$0x3FD9]  }
0x89: {  	s3 =	sld [smem:$0x3FFE];
	_ =	sdelay $0x1  }
0x8a: {  	s1 =	srdreg.scid  }
0x8b: {  	s0 =	sand.u32 $0x1, s1  }
0x8c: {  	s17 =	sshll.u32 s0, $0xA;
	s2 =	sadd.s32 s3, s2  }
0x8d: {  	s2 =	sadd.s32 s2, s17  }
0x8e: {  	[smem:$0x3FC4] =	sst s2  }
0x8f: {  	_ = 	snop  }
0x90: {  	s2 =	sld [smem:$0x3FD0];
	(tm) =	ssettm $0x1  }
0x91: {  	s18 =	sld [smem:$0x3FFB];
	_ =	sdelay $0x3  }
0x92: {  	_ =	strace s18  }
0x93: {  	s3 =	sld [smem:$0x3FFC];
	_ =	sdelay $0x3  }
0x94: {  	_ =	strace s3  }
0x95: {  	s3 =	sld [smem:$0x3FFD];
	_ =	sdelay $0x3  }
0x96: {  	_ =	strace s3  }
0x97: {  	_ =	strace $0x8FFFFFFF  }
0x98: {  	s19 =	sld [smem:$0x3FDB];
	_ =	sdelay $0x1  }
0x99: {  	s4 =	simm.s32 $_scs_section_size  }
0x9a: {  	s5 =	simm.s32 $_size__tile_overlayer_lowered;
	s6 =	simm.s32 $_tile_overlayer_lowered  }
0x9b: {  	s22 =	simm.s32 $0x1BFF;
	s21 =	sshll.u32 s6, $0x1;
	s3 =	sadd.s32 s4, s19  }
0x9c: {  	s7 =	simm.s32 $0x0;
	s20 =	sshll.u32 s5, $0x1;
	s5 =	sadd.s32 s21, s3  }
0x9d: {  	[timem:s7], [sflag:s22] =	dma.local [hbm:s5], s20  }
0x9e: {  	_ =	swait.ge [sflag:s22], s20  }
0x9f: {  	s4 =	ssub.s32 $0x0, s20;
	[sflag:s22] =	ssyncset.done $0x0  }
0xa0: {  	[sflag:s22] =	ssyncadd.s32 s4;
	_ =	sdelay $0x1  }
0xa1: {  	s23 =	simm.s32 $0x1B8B  }
0xa2: {  	_ =	swait.ge [sflag:s23], $0x1  }
0xa3: {  	[sflag:s23] =	ssyncset.done $0x0  }
0xa4: {  	s25 =	simm.s32 $0x1B8E;
	s24 =	sld [smem:$0x3FFE];
	[sflag:s23] =	ssyncadd.s32 $0xFFFFFFFF  }
0xa5: {  	s26 =	simm.s32 $execute0_lowered;
	[smem:$0x3FD2] =	sst s25  }
0xa6: {  	s5 =	sshll.u32 s26, $0x1;
	_ =	strace $0x80000046;
	[dreg:$0x1] =	wrdreg $0xFFFFFFFF  }
0xa7: {  	s28 =	simm.s32 $_size_execute0_lowered;
	s3 =	sadd.s32 s3, s5;
	[dreg:$0x0] =	wrdreg $0x0  }
0xa8: {  	s5 =	sshll.u32 s28, $0x1;
	[dreg:$0x2] =	wrdreg s3  }
0xa9: {  	[dreg:$0x3] =	wrdreg s5  }
0xaa: {  	[dreg:$0x4] =	wrdreg $0xC0  }
0xab: {  	_ =	task [dreg:s7], $0x5FFFF  }
0xac: {  	[dreg:$0x1] =	wrdreg $0xFFFFFFFF  }
0xad: {  	[dreg:$0x0] =	wrdreg $0x60  }
0xae: {  	[dreg:$0x2] =	wrdreg s24  }
0xaf: {  	[dreg:$0x3] =	wrdreg s2  }
0xb0: {  	[dreg:$0x4] =	wrdreg $0x34200  }
0xb1: {  	[dreg:$0x5] =	wrdreg $0x9  }
0xb2: {  	_ =	task.clear_ibuf [dreg:s7], $0x6FFFF;
	_ =	strace $0x90000046  }
0xb3: {  	s29 =	simm.s32 $0x9;
	_ =	strace $0x80000048  }
0xb4: {  	_ =	swait.ge [sflag:s29], $0x1  }
0xb5: {  	[sflag:s29] =	ssyncadd.s32 $0xFFFFFFFF  }
0xb6: {  	_ =	strace $0x90000048  }
0xb7: {  	_ =	sfence  }
0xb8: {  	s30 =	sld [smem:$0x0];
	_ =	sdelay $0x2  }
0xb9: {  	s31 =	sshll.u32 s1, $0xD;
	s1 =	sshrl.u32 s1, $0x2  }
0xba: {  	s3 =	sand.u32 $0x4000, s31;
	s1 =	sadd.s32 s1, s30  }
0xbb: {  	s0 =	sor.u32 s3, s0;
	s1 =	sshll.u32 s1, $0x11  }
0xbc: {  	s0 =	sor.u32 s1, s0  }
0xbd: {  	s0 =	sadd.s32 $0x8F2B, s0  }
0xbe: {  	[sflag:s0] =	ssyncadd.remote.s32 $0x1  }
0xbf: {  	_ =	sfence.sel $0xFFFF  }
0xc0: {  	[dreg:$0x0] =	wrdreg $0xFFFFFFFF;
	(pc) =	sbr.abs _section_cstart, $3  }
0xc1: {  	[dreg:$0x1] =	wrdreg $0xFFFFFFFF  }
0xc2: {  	_ =	task.clear_ibuf [dreg:s7], $0x2FFFF;
	_ =	strace $0x9FFFFFFF  }
0xc3: {  	(tm) =	ssettm $0x7FFFFFFF  }
tec
execute0_lowered:
.L_overlay_start_1:
0x0: {  	(tag) =	ssettag $0x1  }
0x1: {  	s5 =	rddreg [dreg:$0x0]  }
0x2: {  	s11 =	rddreg [dreg:$0x1]  }
0x3: {  	s1 =	rddreg [dreg:$0x2];
	s3 =	simm.s32 $0x0;
	s2 =	stileid.u32  }
0x4: {  	s6 =	srdreg.scid;
	s15 =	simm.s32 $0x3200;
	s16 =	simm.s32 $0x3  }
0x5: {  	s17 =	simm.s32 $0xC80;
	s18 =	simm.s32 $0x1900;
	s19 =	simm.s32 $0x4  }
0x6: {  	s20 =	simm.s32 $0x2580;
	s21 =	simm.s32 $0x1;
	s22 =	simm.s32 $0x3220  }
0x7: {  	s23 =	simm.s32 $0x0;
	[smem:$0x7FF] =	sst s3;
	s4 =	sadd.s32 $0x800, s5  }
0x8: {  	s7 =	sshll.u32 s2, $0xD;
	s6 =	sand.u32 $0x1, s6;
	s9 =	sshll.u32 s2, $0x1  }
0x9: {  	s29 =	sshll.u32 s2, $0x10;
	s31 =	sshll.u32 s2, $0x6;
	_ =	strace $0x80000047  }
0xa: {  	s7 =	sadd.s32 s7, s5;
	s8 =	ssub.s32 $0x2, s6;
	s5 =	sadd.s32 $0x64800, s5  }
0xb: {  	s9 =	sor.u32 s6, s9;
	s13 =	sadd.s32 s29, s1;
	s10 =	sshrl.u32 s8, $0x1  }
0xc: {  	s30 =	smul.u32 $0x3200, s9;
	s6 =	sadd.s32 $0x64A00, s7;
	s7 =	sor.u32 $0x1C05, s31  }
0xd: {  	s14 =	sshll.u32 s9, $0x6;
	s9 =	sshll.u32 s9, $0x5;
	s13 =	sshrl.u32 s13, $0x3  }
0xe: {  	v0 =	vlaneseq.u32;
	s12 =	ssub.s32 s8, s10;
	s11 =	sadd.s32 s11, s14;
	s8 =	sadd.s32 s4, s30  }
0xf: {  	v0 =	vmul.u32 $0xC8, v0;
	s14 =	simm.s32 $0x5;
	s12 =	smax.u32 s12, $0x1;
	s10 =	sadd.s32 $0x190, s8  }
.LBB2_1:
0x10: {  	[spmem:s13], [sflag:s7] =	dma.local [hbm:s6], $0x2000  }
0x11: {  	_ =	swait.ge [sflag:s14], $0x2000  }
0x12: {  	[sflag:s14] =	ssyncset.done $0x0  }
0x13: {  	[sflag:s14] =	ssyncadd.s32 $0xFFFFE000  }
0x14: {  	[tilespmem:s15], [sflag:$0x5] =	stream.linear.gather [hbm4b:s5+s3], $0x20, $0x38;
	[tilespmem:$0x13420] =	vst v63  }
0x15: {  	_ =	swait.ge [sflag:s14], $0x20  }
0x16: {  	[sflag:s14] =	ssyncset.done $0x0  }
0x17: {  	[sflag:s14] =	ssyncadd.s32 $0xFFFFFFE0  }
0x18: {  	[bflag:$0x0] =	sbarrier.arrive $0xFFFF  }
0x19: {  	v1 =	vld [tilespmem:$0x3210];
	[tilespmem:s3], [sflag:$0x3] =	stream.linear.gather [hbm4b:s8+s3], $0xC80, $0x38  }
0x1a: {  	_ =	swait.ge [sflag:s16], $0xC80  }
0x1b: {  	[sflag:s16] =	ssyncset.done $0x0  }
0x1c: {  	[sflag:s16] =	ssyncadd.s32 $0xFFFFF380  }
0x1d: {  	[tilespmem:s18], [sflag:$0x1] =	stream.indirect.gather [spmem:s1], $0x1, s3, s17, $0xb8;
	[tilespmem:$0x13420] =	vst v63  }
0x1e: {  	s24 =	simm.s32 $0x0  }
0x1f: {  	[tilespmem:s17], [sflag:$0x4] =	stream.linear.gather [hbm4b:s10+s3], $0xC80, $0x38;
	[tilespmem:$0x13420] =	vst v63  }
.LBB2_2:
0x20: {  	s25 =	simm.s32 $0xF  }
0x21: {  	v2 =	vimm.f32 $0.0e+00;
	s26 =	simm.s32 $0x13;
	s28 =	simm.s32 $0x10;
	v4 =	vadd.s32 s25, v0  }
0x22: {  	s30 =	simm.s32 $0x11;
	s31 =	simm.s32 $0x12;
	v3 =	vmov s28;
	v5 =	vadd.s32 s26, v0;
	v6 =	vadd.s32 s28, v0  }
0x23: {  	_ =	swait.ge [sflag:s19], $0xC80;
	s0 =	simm.s32 $0xB;
	s29 =	simm.s32 $0xD;
	v7 =	vmov s30;
	v8 =	vadd.s32 s30, v0;
	v9 =	vmov s31  }
0x24: {  	[sflag:s19] =	ssyncset.done $0x0;
	s28 =	simm.s32 $0xC;
	v10 =	vadd.s32 s31, v0;
	v11 =	vadd.s32 s0, v0;
	v14 =	vmov s29  }
0x25: {  	s30 =	simm.s32 $0x7;
	v20 =	vadd.s32 s29, v0;
	s31 =	simm.s32 $0xE;
	s29 =	simm.s32 $0x8;
	v12 =	vmov s28;
	v13 =	vadd.s32 s28, v0  }
0x26: {  	s0 =	simm.s32 $0xA;
	[sflag:s19] =	ssyncadd.s32 $0xFFFFF380;
	s28 =	sshll.u32 s24, $0x1;
	v15 =	vadd.s32 s30, v0;
	v21 =	vmov s31;
	v22 =	vadd.s32 s31, v0  }
0x27: {  	v16 =	vmov s29;
	v17 =	vadd.s32 s29, v0;
	v24 =	vmov s0;
	[tilespmem:s20], [sflag:$0x2] =	stream.indirect.gather [spmem:s1], $0x1, s17, s17, $0xb8;
	[tilespmem:$0x13420] =	vst v63  }
0x28: {  	p0 =	seq.s32 s24, $0xF;
	s30 =	simm.s32 $0x9;
	v25 =	vadd.s32 s0, v0;
	v6 =	vand.u32 $0x1FF8, v6;
	v3 =	vand.u32 $0x4, v3;
	s26 =	sadd.s32 s9, s28  }
0x29: {  	s31 =	simm.s32 $0x4;
	s29 =	simm.s32 $0x6;
	v14 =	vand.u32 $0x5, v14;
	v8 =	vand.u32 $0x1FF8, v8;
	v7 =	vand.u32 $0x5, v7;
	s25 =	smul.u32 @!p0 $0xC80, s26  }
0x2a: {  	s0 =	simm.s32 $0x0;
	v18 =	vmov s30;
	s28 =	simm.s32 $0x3;
	v26 =	vmov s31;
	v27 =	vadd.s32 s31, v0;
	s31 =	simm.s32 $0x2  }
0x2b: {  	v19 =	vadd.s32 s30, v0;
	v30 =	vmov s29;
	v23 =	vadd.s32 s28, v0;
	s28 =	simm.s32 $0x5;
	_ =	swait.ge [sflag:s21], $0xC80;
	s25 =	sshrl.u32 @!p0 s25, $0x3  }
0x2c: {  	v6 =	vor.u32 v3, v6;
	v28 =	vmov s28;
	v29 =	vadd.s32 s28, v0;
	s28 =	simm.s32 $0x1;
	[sflag:s21] =	ssyncset.done $0x0;
	s25 =	sadd.s32 @!p0 s4, s25  }
0x2d: {  	v31 =	vmov s0;
	v34 =	vmov s28;
	v35 =	vadd.s32 s28, v0;
	[sflag:s21] =	ssyncadd.s32 $0xFFFFF380;
	s28 =	simm.s32 @!p0 $0x0;
	s25 =	sadd.s32 @!p0 $0x320, s25  }
0x2e: {  	v32 =	vadd.s32 s0, v0;
	v33 =	vadd.s32 s29, v0;
	v13 =	vand.u32 $0x1FF8, v13;
	[tilespmem:s28], [sflag:$0x3] =	stream.linear.gather @!p0 [hbm4b:s25+s28], $0xC80, $0x38;
	[tilespmem:$0x13420] =	vst v63  }
0x2f: {  	v12 =	vand.u32 $0x4, v12;
	v16 =	vand.u32 $0x4, v16;
	v36 =	vmov s31;
	v3 =	vld.idx.msk [tilespmem:v5+s18+$0x0], $0xffff  }
0x30: {  	v37 =	vadd.s32 s31, v0;
	v12 =	vor.u32 v12, v13;
	v5 =	vand.u32 $0x1FF8, v17;
	v4 =	vld.idx.msk [tilespmem:v4+s18+$0x0], $0xffff  }
0x31: {  	v13 =	vand.u32 $0x1FF8, v27;
	v17 =	vand.u32 $0x4, v26;
	v6 =	vld.idx.msk [tilespmem:v6+s18+$0x0], $0xffff;
	v26 =	vor.u32 v16, v5  }
0x32: {  	v27 =	vand.u32 $0x4, v31;
	v5 =	vld.idx.msk [tilespmem:v11+s18+$0x0], $0xffff;
	v16 =	vand.u32 $0x1FF8, v32;
	v13 =	vor.u32 v17, v13  }
0x33: {  	v11 =	vld.idx.msk [tilespmem:v15+s18+$0x0], $0xffff;
	v15 =	vand.u32 $0x1FF8, v35;
	v17 =	vand.u32 $0x5, v34;
	v27 =	vor.u32 v27, v16  }
0x34: {  	v16 =	vld.idx.msk [tilespmem:v23+s18+$0x0], $0xffff;
	v31 =	vor.u32 v17, v15;
	v15 =	vand.u32 $0x1FF8, v37;
	v17 =	vand.u32 $0x6, v36  }
0x35: {  	v23 =	vand.u32 $0x5, v28;
	v63 =	vor.u32 v17, v15;
	v17 =	vand.u32 $0x1FF8, v29;
	v15 =	vld.idx.msk [tilespmem:v12+s18+$0x0], $0xffff  }
0x36: {  	v28 =	vand.u32 $0x6, v30;
	v12 =	vor.u32 v23, v17;
	v23 =	vand.u32 $0x1FF8, v33;
	v17 =	vld.idx.msk [tilespmem:v26+s18+$0x0], $0xffff  }
0x37: {  	v19 =	vand.u32 $0x1FF8, v19;
	v26 =	vor.u32 v28, v23;
	v23 =	vand.u32 $0x5, v18;
	v18 =	vld.idx.msk [tilespmem:v13+s18+$0x0], $0xffff  }
0x38: {  	v24 =	vand.u32 $0x6, v24;
	v13 =	vand.u32 $0x1FF8, v25;
	v23 =	vor.u32 v23, v19;
	v19 =	vld.idx.msk [tilespmem:v27+s18+$0x0], $0xffff  }
0x39: {  	v28 =	vor.u32 v7, v8;
	v24 =	vor.u32 v24, v13;
	v13 =	vand.u32 $0x1FF8, v20;
	v20 =	vld.idx.msk [tilespmem:v31+s18+$0x0], $0xffff  }
0x3a: {  	v25 =	vor.u32 v14, v13;
	v13 =	vand.u32 $0x1FF8, v22;
	v14 =	vand.u32 $0x6, v21;
	v22 =	vld.idx.msk [tilespmem:v63+s18+$0x0], $0xffff  }
0x3b: {  	v7 =	vand.u32 $0x1FF8, v10;
	v8 =	vimm.f32 $0.0e+00;
	v27 =	vor.u32 v14, v13;
	v21 =	vld.idx.msk [tilespmem:v12+s18+$0x0], $0xffff  }
0x3c: {  	s25 =	simm.s32 $0x0;
	s28 =	simm.s32 $0x27;
	v10 =	vimm.f32 $0.0e+00;
	v12 =	vand.u32 $0x6, v9;
	v9 =	vimm.f32 $0.0e+00;
	v26 =	vld.idx.msk [tilespmem:v26+s18+$0x0], $0xffff  }
.LBB2_3:
0x3d: {  	s29 =	sadd.s32 $0xFFFFFFFC, s28;
	s30 =	sadd.s32 $0xFFFFFFFD, s28;
	v23 =	vld.idx.msk [tilespmem:v23+s18+$0x0], $0xffff;
	v14 =	vor.u32 v12, v7  }
0x3e: {  	v31 =	vadd.s32 s28, v0;
	v29 =	vadd.s32 s29, v0;
	v30 =	vmov s30;
	v24 =	vld.idx.msk [tilespmem:v24+s18+$0x0], $0xffff  }
0x3f: {  	v2 =	vadd.f32 v19, v2;
	v32 =	vadd.s32 s30, v0;
	s29 =	sadd.s32 $0xFFFFFFFE, s28;
	v8 =	vadd.f32 v20, v8;
	v19 =	vld.idx.msk [tilespmem:v25+s18+$0x0], $0xffff  }
0x40: {  	v10 =	vadd.f32 v16, v10;
	v7 =	vmov s29;
	v9 =	vadd.f32 v22, v9;
	v16 =	vld.idx.msk [tilespmem:v27+s18+$0x0], $0xffff  }
0x41: {  	v12 =	vadd.s32 s29, v0;
	s29 =	sadd.s32 $0xFFFFFFFF, s28;
	v2 =	vadd.f32 v18, v2;
	v8 =	vadd.f32 v21, v8;
	v18 =	vld.idx.msk [tilespmem:v28+s18+$0x0], $0xffff  }
0x42: {  	v10 =	vadd.f32 v11, v10;
	v13 =	vmov s29;
	v9 =	vadd.f32 v26, v9;
	v11 =	vld.idx.msk [tilespmem:v14+s18+$0x0], $0xffff  }
0x43: {  	s30 =	sadd.s32 $0xFFFFFFF8, s28;
	v2 =	vadd.f32 v17, v2;
	v14 =	vadd.s32 s29, v0;
	v8 =	vadd.f32 v23, v8  }
0x44: {  	v17 =	vadd.s32 s30, v0;
	v5 =	vadd.f32 v5, v10;
	s29 =	sadd.s32 $0xFFFFFFF9, s28;
	v9 =	vadd.f32 v24, v9  }
0x45: {  	v20 =	vmov s29;
	v2 =	vadd.f32 v15, v2;
	v8 =	vadd.f32 v19, v8  }
0x46: {  	v15 =	vadd.s32 s29, v0;
	s29 =	sadd.s32 $0xFFFFFFFA, s28;
	v4 =	vadd.f32 v4, v5;
	v9 =	vadd.f32 v16, v9  }
0x47: {  	v21 =	vmov s29;
	v2 =	vadd.f32 v6, v2;
	v8 =	vadd.f32 v18, v8  }
0x48: {  	s30 =	sadd.s32 $0xFFFFFFF4, s28;
	v22 =	vadd.s32 s29, v0;
	s29 =	sadd.s32 $0xFFFFFFFB, s28;
	v10 =	vadd.f32 v3, v4;
	v9 =	vadd.f32 v11, v9  }
0x49: {  	s31 =	sadd.s32 $0xFFFFFFF6, s28;
	v6 =	vadd.s32 s30, v0;
	s30 =	sadd.s32 $0xFFFFFFF5, s28;
	v26 =	vmov s29;
	v27 =	vadd.s32 s29, v0  }
0x4a: {  	v19 =	vmov s31;
	s29 =	sadd.s32 $0xFFFFFFF7, s28;
	v4 =	vmov s30;
	v5 =	vadd.s32 s30, v0  }
0x4b: {  	s0 =	sadd.s32 $0xFFFFFFF1, s28;
	v23 =	vadd.s32 s31, v0;
	s30 =	sadd.s32 $0xFFFFFFF0, s28;
	v24 =	vmov s29;
	v25 =	vadd.s32 s29, v0  }
0x4c: {  	v18 =	vadd.s32 s0, v0;
	s29 =	sadd.s32 $0xFFFFFFF3, s28;
	v16 =	vadd.s32 s30, v0;
	v11 =	vmov s0;
	s0 =	sadd.s32 $0xFFFFFFF2, s28  }
0x4d: {  	s30 =	sadd.s32 $0xFFFFFFED, s28;
	v34 =	vmov s29;
	v28 =	vmov s0;
	v33 =	vadd.s32 s0, v0  }
0x4e: {  	v37 =	vadd.s32 s29, v0;
	v35 =	vmov s30;
	v36 =	vadd.s32 s30, v0;
	s0 =	sadd.s32 $0xFFFFFFEE, s28;
	s30 =	sadd.s32 $0xFFFFFFEF, s28  }
0x4f: {  	v38 =	vmov s0;
	v39 =	vadd.s32 s0, v0;
	v40 =	vmov s30  }
0x50: {  	v30 =	vand.u32 $0x4, v30;
	v3 =	vand.u32 $0x1FF8, v32;
	v41 =	vadd.s32 s30, v0  }
0x51: {  	v15 =	vand.u32 $0x1FF8, v15;
	v20 =	vand.u32 $0x4, v20;
	v30 =	vor.u32 v30, v3;
	v3 =	vld.idx.msk [tilespmem:v31+s18+$0x0], $0xffff  }
0x52: {  	v15 =	vor.u32 v20, v15;
	v5 =	vand.u32 $0x1FF8, v5;
	v31 =	vand.u32 $0x4, v4;
	v4 =	vld.idx.msk [tilespmem:v29+s18+$0x0], $0xffff  }
0x53: {  	v18 =	vand.u32 $0x1FF8, v18;
	v11 =	vand.u32 $0x4, v11;
	v20 =	vor.u32 v31, v5;
	v5 =	vld.idx.msk [tilespmem:v17+s18+$0x0], $0xffff  }
0x54: {  	s25 =	sadd.s32 $0x5, s25;
	v18 =	vor.u32 v11, v18;
	v29 =	vand.u32 $0x4, v35;
	v17 =	vand.u32 $0x1FF8, v36;
	v11 =	vld.idx.msk [tilespmem:v6+s18+$0x0], $0xffff  }
0x55: {  	p0 =	slt.u32 s25, $0x2D;
	v29 =	vor.u32 v29, v17;
	v6 =	vand.u32 $0x1FF8, v39;
	v17 =	vand.u32 $0x5, v38;
	v16 =	vld.idx.msk [tilespmem:v16+s18+$0x0], $0xffff  }
0x56: {  	v32 =	vand.u32 $0x6, v40;
	v31 =	vor.u32 v17, v6;
	v17 =	vand.u32 $0x1FF8, v41;
	v6 =	vld.idx.msk [tilespmem:v30+s18+$0x0], $0xffff  }
0x57: {  	v28 =	vand.u32 $0x5, v28;
	v30 =	vor.u32 v32, v17;
	v17 =	vand.u32 $0x1FF8, v33;
	v15 =	vld.idx.msk [tilespmem:v15+s18+$0x0], $0xffff  }
0x58: {  	v32 =	vand.u32 $0x1FF8, v37;
	v33 =	vand.u32 $0x6, v34;
	v28 =	vor.u32 v28, v17;
	v17 =	vld.idx.msk [tilespmem:v20+s18+$0x0], $0xffff  }
0x59: {  	v32 =	vor.u32 v33, v32;
	v20 =	vand.u32 $0x1FF8, v23;
	v23 =	vand.u32 $0x5, v19;
	v18 =	vld.idx.msk [tilespmem:v18+s18+$0x0], $0xffff  }
.Ltmp0:
0x5a: {  	v25 =	vand.u32 $0x1FF8, v25;
	v24 =	vand.u32 $0x6, v24;
	v23 =	vor.u32 v23, v20;
	v19 =	vld.idx.msk [tilespmem:v29+s18+$0x0], $0xffff;
	(pc) =	sbr.rel @p0 .LBB2_3-.Ltmp0, $4  }
0x5b: {  	v21 =	vand.u32 $0x5, v21;
	v24 =	vor.u32 v24, v25;
	v25 =	vand.u32 $0x1FF8, v22;
	v20 =	vld.idx.msk [tilespmem:v31+s18+$0x0], $0xffff  }
0x5c: {  	v27 =	vand.u32 $0x1FF8, v27;
	v26 =	vand.u32 $0x6, v26;
	v25 =	vor.u32 v21, v25;
	v22 =	vld.idx.msk [tilespmem:v30+s18+$0x0], $0xffff  }
0x5d: {  	v12 =	vand.u32 $0x1FF8, v12;
	v7 =	vand.u32 $0x5, v7;
	v27 =	vor.u32 v26, v27;
	v21 =	vld.idx.msk [tilespmem:v28+s18+$0x0], $0xffff  }
0x5e: {  	s28 =	sadd.s32 $0x14, s28;
	v28 =	vor.u32 v7, v12;
	v7 =	vand.u32 $0x1FF8, v14;
	v12 =	vand.u32 $0x6, v13;
	v26 =	vld.idx.msk [tilespmem:v32+s18+$0x0], $0xffff  }
0x5f: {  	_ =	sdelay $0x3  }
0x60: {  	v13 =	vld.idx.msk [tilespmem:v23+s18+$0x0], $0xffff;
	v7 =	vor.u32 v12, v7  }
0x61: {  	v12 =	vld.idx.msk [tilespmem:v24+s18+$0x0], $0xffff;
	v2 =	vadd.f32 v19, v2;
	v10 =	vadd.f32 v16, v10  }
0x62: {  	v14 =	vld.idx.msk [tilespmem:v25+s18+$0x0], $0xffff;
	v8 =	vadd.f32 v20, v8;
	v9 =	vadd.f32 v22, v9  }
0x63: {  	v16 =	vld.idx.msk [tilespmem:v27+s18+$0x0], $0xffff;
	v2 =	vadd.f32 v18, v2;
	v10 =	vadd.f32 v11, v10  }
0x64: {  	v18 =	vld.idx.msk [tilespmem:v28+s18+$0x0], $0xffff;
	v8 =	vadd.f32 v21, v8;
	v9 =	vadd.f32 v26, v9  }
0x65: {  	v2 =	vadd.f32 v17, v2;
	v5 =	vadd.f32 v5, v10;
	v7 =	vld.idx.msk [tilespmem:v7+s18+$0x0], $0xffff  }
0x66: {  	v8 =	vadd.f32 v13, v8;
	v9 =	vadd.f32 v12, v9  }
0x67: {  	v2 =	vadd.f32 v15, v2;
	v4 =	vadd.f32 v4, v5  }
0x68: {  	v8 =	vadd.f32 v14, v8;
	v9 =	vadd.f32 v16, v9  }
0x69: {  	v2 =	vadd.f32 v6, v2;
	v3 =	vadd.f32 v3, v4  }
0x6a: {  	v5 =	vadd.f32 v18, v8;
	v6 =	vadd.f32 v7, v9;
	_ =	sdelay $0x1  }
0x6b: {  	v2 =	vadd.f32 v5, v2;
	v3 =	vadd.f32 v3, v6;
	_ =	sdelay $0x1  }
0x6c: {  	v2 =	vadd.f32 v3, v2;
	_ =	sdelay $0x1  }
0x6d: {  	v2 =	vadd.f32 v2, v1;
	_ =	sdelay $0x1  }
0x6e: {  	v2 =	vsub.f32 $0.0e+00, v2;
	_ =	sdelay $0x1  }
0x6f: {  	v2 =	vmul.f32 $1.442695020e+00, v2;
	_ =	sdelay $0x1  }
0x70: {  	(erf) = vpow2.f32 v2;
	_ =	sdelay $0x8  }
0x71: {  	v2 =	vpop (erf)  }
0x72: {  	v2 =	vadd.f32 $1.000000000e+00, v2;
	_ =	sdelay $0x1  }
0x73: {  	(erf) = vrcp.f32 v2;
	_ =	sdelay $0x8  }
0x74: {  	v2 =	vpop (erf)  }
0x75: {  	v2 =	vmul.f32 $1.000000000e+04, v2;
	_ =	sdelay $0x1  }
0x76: {  	v2 =	vadd.f32 $1.258291200e+07, v2;
	_ =	sdelay $0x1  }
0x77: {  	v2 =	vadd.f32 $-1.258291200e+07, v2;
	_ =	sdelay $0x1  }
0x78: {  	s0 =	sshll.u32 s24, $0x5;
	p0 =	sne.s32 s24, $0xF;
	v2 =	vmul.f32 $9.999999740e-05, v2  }
0x79: {  	s30 =	simm.s32 $0xF;
	s25 =	sand.u32 $0x3FFFFFE0, s0;
	s26 =	smul.u32 @p0 $0xC80, s26  }
0x7a: {  	s31 =	simm.s32 $0x13;
	s0 =	simm.s32 @p0 $0x3;
	s28 =	simm.s32 @p0 $0x0;
	[tilespmem:s25+$0x3220] =	vst v2  }
0x7b: {  	s29 =	simm.s32 @p0 $0x1900;
	s26 =	sshrl.u32 @p0 s26, $0x3;
	_ =	swait.ge @p0 [sflag:s0], $0xC80  }
0x7c: {  	s26 =	sadd.s32 @p0 s4, s26;
	v4 =	vadd.s32 s30, v0;
	s30 =	simm.s32 $0x12;
	[sflag:s0] =	ssyncset.done @p0 $0x0  }
0x7d: {  	v10 =	vadd.s32 s30, v0;
	v9 =	vmov s30;
	s30 =	simm.s32 $0xE;
	[sflag:s0] =	ssyncadd.s32 @p0 $0xFFFFF380;
	s0 =	simm.s32 @p0 $0xC80  }
0x7e: {  	[tilespmem:s29], [sflag:$0x1] =	stream.indirect.gather @p0 [spmem:s1], $0x1, s28, s0, $0xb8;
	[tilespmem:$0x13420] =	vst v63  }
0x7f: {  	v5 =	vadd.s32 s31, v0;
	s31 =	simm.s32 $0xB;
	v21 =	vmov s30;
	v22 =	vadd.s32 s30, v0;
	s30 =	simm.s32 $0x3;
	s29 =	simm.s32 @p0 $0x2  }
0x80: {  	v11 =	vadd.s32 s31, v0;
	s31 =	simm.s32 $0x8;
	v23 =	vadd.s32 s30, v0;
	s30 =	simm.s32 $0x6;
	_ =	swait.ge @p0 [sflag:s29], $0xC80  }
0x81: {  	s26 =	sadd.s32 @p0 $0x4B0, s26;
	v16 =	vmov s31;
	v17 =	vadd.s32 s31, v0;
	s31 =	simm.s32 $0x4;
	v30 =	vmov s30;
	[sflag:s29] =	ssyncset.done @p0 $0x0  }
0x82: {  	v33 =	vadd.s32 s30, v0;
	v26 =	vmov s31;
	v27 =	vadd.s32 s31, v0;
	s31 =	simm.s32 $0x2;
	[sflag:s29] =	ssyncadd.s32 @p0 $0xFFFFF380;
	s29 =	simm.s32 $0x11  }
0x83: {  	v16 =	vand.u32 $0x4, v16;
	v36 =	vmov s31;
	v37 =	vadd.s32 s31, v0;
	[tilespmem:s0], [sflag:$0x4] =	stream.linear.gather @p0 [hbm4b:s26+s28], $0xC80, $0x38;
	[tilespmem:$0x13420] =	vst v63  }
0x84: {  	v2 =	vimm.f32 $0.0e+00;
	s28 =	simm.s32 $0x10;
	v7 =	vmov s29;
	v8 =	vadd.s32 s29, v0;
	s26 =	simm.s32 $0xD  }
0x85: {  	s29 =	simm.s32 $0x7;
	v3 =	vmov s28;
	v6 =	vadd.s32 s28, v0;
	v14 =	vmov s26  }
0x86: {  	s28 =	simm.s32 $0xC;
	v20 =	vadd.s32 s26, v0;
	v15 =	vadd.s32 s29, v0;
	v8 =	vand.u32 $0x1FF8, v8  }
0x87: {  	s26 =	simm.s32 $0xA;
	s29 =	simm.s32 $0x5;
	v7 =	vand.u32 $0x5, v7;
	v12 =	vmov s28;
	v13 =	vadd.s32 s28, v0  }
0x88: {  	s0 =	simm.s32 @!p0 $0x2;
	v24 =	vmov s26;
	v25 =	vadd.s32 s26, v0;
	v28 =	vmov s29  }
0x89: {  	_ =	swait.ge @!p0 [sflag:s0], $0xC80;
	s28 =	simm.s32 $0x9;
	v29 =	vadd.s32 s29, v0;
	v6 =	vand.u32 $0x1FF8, v6;
	v3 =	vand.u32 $0x4, v3  }
0x8a: {  	[sflag:s0] =	ssyncset.done @!p0 $0x0;
	v14 =	vand.u32 $0x5, v14;
	v18 =	vmov s28;
	v19 =	vadd.s32 s28, v0  }
0x8b: {  	s28 =	simm.s32 $0x0;
	[sflag:s0] =	ssyncadd.s32 @!p0 $0xFFFFF380;
	v13 =	vand.u32 $0x1FF8, v13;
	v12 =	vand.u32 $0x4, v12;
	v6 =	vor.u32 v3, v6  }
0x8c: {  	v31 =	vmov s28;
	v32 =	vadd.s32 s28, v0;
	v3 =	vld.idx.msk [tilespmem:v5+s20+$0x0], $0xffff;
	v5 =	vand.u32 $0x1FF8, v17  }
0x8d: {  	s28 =	simm.s32 $0x1;
	v12 =	vor.u32 v12, v13;
	v4 =	vld.idx.msk [tilespmem:v4+s20+$0x0], $0xffff;
	v13 =	vand.u32 $0x1FF8, v27;
	v17 =	vand.u32 $0x4, v26  }
0x8e: {  	v34 =	vmov s28;
	v35 =	vadd.s32 s28, v0;
	v26 =	vor.u32 v16, v5;
	v5 =	vld.idx.msk [tilespmem:v11+s20+$0x0], $0xffff  }
0x8f: {  	v16 =	vand.u32 $0x1FF8, v32;
	v27 =	vand.u32 $0x4, v31;
	v13 =	vor.u32 v17, v13;
	v11 =	vld.idx.msk [tilespmem:v15+s20+$0x0], $0xffff  }
0x90: {  	v27 =	vor.u32 v27, v16;
	v15 =	vand.u32 $0x1FF8, v35;
	v17 =	vand.u32 $0x5, v34;
	v16 =	vld.idx.msk [tilespmem:v23+s20+$0x0], $0xffff  }
0x91: {  	v31 =	vor.u32 v17, v15;
	v15 =	vand.u32 $0x1FF8, v37;
	v17 =	vand.u32 $0x6, v36;
	v6 =	vld.idx.msk [tilespmem:v6+s20+$0x0], $0xffff  }
0x92: {  	v23 =	vand.u32 $0x5, v28;
	v63 =	vor.u32 v17, v15;
	v17 =	vand.u32 $0x1FF8, v29;
	v15 =	vld.idx.msk [tilespmem:v12+s20+$0x0], $0xffff  }
0x93: {  	v28 =	vand.u32 $0x6, v30;
	v12 =	vor.u32 v23, v17;
	v23 =	vand.u32 $0x1FF8, v33;
	v17 =	vld.idx.msk [tilespmem:v26+s20+$0x0], $0xffff  }
0x94: {  	v19 =	vand.u32 $0x1FF8, v19;
	v26 =	vor.u32 v28, v23;
	v23 =	vand.u32 $0x5, v18;
	v18 =	vld.idx.msk [tilespmem:v13+s20+$0x0], $0xffff  }
0x95: {  	v24 =	vand.u32 $0x6, v24;
	v13 =	vand.u32 $0x1FF8, v25;
	v23 =	vor.u32 v23, v19;
	v19 =	vld.idx.msk [tilespmem:v27+s20+$0x0], $0xffff  }
0x96: {  	v28 =	vor.u32 v7, v8;
	v24 =	vor.u32 v24, v13;
	v13 =	vand.u32 $0x1FF8, v20;
	v20 =	vld.idx.msk [tilespmem:v31+s20+$0x0], $0xffff  }
0x97: {  	v25 =	vor.u32 v14, v13;
	v13 =	vand.u32 $0x1FF8, v22;
	v14 =	vand.u32 $0x6, v21;
	v22 =	vld.idx.msk [tilespmem:v63+s20+$0x0], $0xffff  }
0x98: {  	v7 =	vand.u32 $0x1FF8, v10;
	v8 =	vimm.f32 $0.0e+00;
	v27 =	vor.u32 v14, v13;
	v21 =	vld.idx.msk [tilespmem:v12+s20+$0x0], $0xffff  }
0x99: {  	s26 =	simm.s32 $0x0;
	s28 =	simm.s32 $0x27;
	v10 =	vimm.f32 $0.0e+00;
	v12 =	vand.u32 $0x6, v9;
	v9 =	vimm.f32 $0.0e+00;
	v26 =	vld.idx.msk [tilespmem:v26+s20+$0x0], $0xffff  }
.LBB2_5:
0x9a: {  	s0 =	sadd.s32 $0xFFFFFFFC, s28;
	s29 =	sadd.s32 $0xFFFFFFFD, s28;
	v23 =	vld.idx.msk [tilespmem:v23+s20+$0x0], $0xffff;
	v14 =	vor.u32 v12, v7  }
0x9b: {  	v31 =	vadd.s32 s28, v0;
	v29 =	vadd.s32 s0, v0;
	v30 =	vmov s29;
	v24 =	vld.idx.msk [tilespmem:v24+s20+$0x0], $0xffff  }
0x9c: {  	v2 =	vadd.f32 v19, v2;
	v32 =	vadd.s32 s29, v0;
	s0 =	sadd.s32 $0xFFFFFFFE, s28;
	v8 =	vadd.f32 v20, v8;
	v19 =	vld.idx.msk [tilespmem:v25+s20+$0x0], $0xffff  }
0x9d: {  	v10 =	vadd.f32 v16, v10;
	v7 =	vmov s0;
	v9 =	vadd.f32 v22, v9;
	v16 =	vld.idx.msk [tilespmem:v27+s20+$0x0], $0xffff  }
0x9e: {  	v12 =	vadd.s32 s0, v0;
	s0 =	sadd.s32 $0xFFFFFFFF, s28;
	v2 =	vadd.f32 v18, v2;
	v8 =	vadd.f32 v21, v8;
	v18 =	vld.idx.msk [tilespmem:v28+s20+$0x0], $0xffff  }
0x9f: {  	v10 =	vadd.f32 v11, v10;
	v13 =	vmov s0;
	v9 =	vadd.f32 v26, v9;
	v11 =	vld.idx.msk [tilespmem:v14+s20+$0x0], $0xffff  }
0xa0: {  	s29 =	sadd.s32 $0xFFFFFFF8, s28;
	v2 =	vadd.f32 v17, v2;
	v14 =	vadd.s32 s0, v0;
	v8 =	vadd.f32 v23, v8  }
0xa1: {  	v17 =	vadd.s32 s29, v0;
	v5 =	vadd.f32 v5, v10;
	s0 =	sadd.s32 $0xFFFFFFF9, s28;
	v9 =	vadd.f32 v24, v9  }
0xa2: {  	v20 =	vmov s0;
	v2 =	vadd.f32 v15, v2;
	v8 =	vadd.f32 v19, v8  }
0xa3: {  	v15 =	vadd.s32 s0, v0;
	s0 =	sadd.s32 $0xFFFFFFFA, s28;
	v4 =	vadd.f32 v4, v5;
	v9 =	vadd.f32 v16, v9  }
0xa4: {  	v21 =	vmov s0;
	v2 =	vadd.f32 v6, v2;
	v8 =	vadd.f32 v18, v8  }
0xa5: {  	s29 =	sadd.s32 $0xFFFFFFF4, s28;
	v22 =	vadd.s32 s0, v0;
	s0 =	sadd.s32 $0xFFFFFFFB, s28;
	v10 =	vadd.f32 v3, v4;
	v9 =	vadd.f32 v11, v9  }
0xa6: {  	s30 =	sadd.s32 $0xFFFFFFF6, s28;
	v6 =	vadd.s32 s29, v0;
	s29 =	sadd.s32 $0xFFFFFFF5, s28;
	v26 =	vmov s0;
	v27 =	vadd.s32 s0, v0  }
0xa7: {  	v19 =	vmov s30;
	s0 =	sadd.s32 $0xFFFFFFF7, s28;
	v4 =	vmov s29;
	v5 =	vadd.s32 s29, v0  }
0xa8: {  	s31 =	sadd.s32 $0xFFFFFFF1, s28;
	v23 =	vadd.s32 s30, v0;
	s29 =	sadd.s32 $0xFFFFFFF0, s28;
	v24 =	vmov s0;
	v25 =	vadd.s32 s0, v0  }
0xa9: {  	v18 =	vadd.s32 s31, v0;
	s0 =	sadd.s32 $0xFFFFFFF2, s28;
	v16 =	vadd.s32 s29, v0;
	v11 =	vmov s31;
	s29 =	sadd.s32 $0xFFFFFFF3, s28  }
0xaa: {  	s30 =	sadd.s32 $0xFFFFFFED, s28;
	v28 =	vmov s0;
	v33 =	vadd.s32 s0, v0;
	v34 =	vmov s29  }
0xab: {  	v35 =	vmov s30;
	v36 =	vadd.s32 s30, v0;
	s30 =	sadd.s32 $0xFFFFFFEF, s28;
	s0 =	sadd.s32 $0xFFFFFFEE, s28;
	v37 =	vadd.s32 s29, v0  }
0xac: {  	v40 =	vmov s30;
	v38 =	vmov s0;
	v39 =	vadd.s32 s0, v0  }
0xad: {  	v30 =	vand.u32 $0x4, v30;
	v3 =	vand.u32 $0x1FF8, v32;
	v41 =	vadd.s32 s30, v0  }
0xae: {  	v15 =	vand.u32 $0x1FF8, v15;
	v20 =	vand.u32 $0x4, v20;
	v30 =	vor.u32 v30, v3;
	v3 =	vld.idx.msk [tilespmem:v31+s20+$0x0], $0xffff  }
0xaf: {  	v15 =	vor.u32 v20, v15;
	v5 =	vand.u32 $0x1FF8, v5;
	v31 =	vand.u32 $0x4, v4;
	v4 =	vld.idx.msk [tilespmem:v29+s20+$0x0], $0xffff  }
0xb0: {  	v18 =	vand.u32 $0x1FF8, v18;
	v11 =	vand.u32 $0x4, v11;
	v20 =	vor.u32 v31, v5;
	v5 =	vld.idx.msk [tilespmem:v17+s20+$0x0], $0xffff  }
0xb1: {  	s26 =	sadd.s32 $0x5, s26;
	v18 =	vor.u32 v11, v18;
	v29 =	vand.u32 $0x4, v35;
	v17 =	vand.u32 $0x1FF8, v36;
	v11 =	vld.idx.msk [tilespmem:v6+s20+$0x0], $0xffff  }
0xb2: {  	p0 =	slt.u32 s26, $0x2D;
	v29 =	vor.u32 v29, v17;
	v6 =	vand.u32 $0x1FF8, v39;
	v17 =	vand.u32 $0x5, v38;
	v16 =	vld.idx.msk [tilespmem:v16+s20+$0x0], $0xffff  }
0xb3: {  	v32 =	vand.u32 $0x6, v40;
	v31 =	vor.u32 v17, v6;
	v17 =	vand.u32 $0x1FF8, v41;
	v6 =	vld.idx.msk [tilespmem:v30+s20+$0x0], $0xffff  }
0xb4: {  	v28 =	vand.u32 $0x5, v28;
	v30 =	vor.u32 v32, v17;
	v17 =	vand.u32 $0x1FF8, v33;
	v15 =	vld.idx.msk [tilespmem:v15+s20+$0x0], $0xffff  }
0xb5: {  	v32 =	vand.u32 $0x1FF8, v37;
	v33 =	vand.u32 $0x6, v34;
	v28 =	vor.u32 v28, v17;
	v17 =	vld.idx.msk [tilespmem:v20+s20+$0x0], $0xffff  }
0xb6: {  	v32 =	vor.u32 v33, v32;
	v20 =	vand.u32 $0x1FF8, v23;
	v23 =	vand.u32 $0x5, v19;
	v18 =	vld.idx.msk [tilespmem:v18+s20+$0x0], $0xffff  }
.Ltmp1:
0xb7: {  	v25 =	vand.u32 $0x1FF8, v25;
	v24 =	vand.u32 $0x6, v24;
	v23 =	vor.u32 v23, v20;
	v19 =	vld.idx.msk [tilespmem:v29+s20+$0x0], $0xffff;
	(pc) =	sbr.rel @p0 .LBB2_5-.Ltmp1, $4  }
0xb8: {  	v21 =	vand.u32 $0x5, v21;
	v24 =	vor.u32 v24, v25;
	v25 =	vand.u32 $0x1FF8, v22;
	v20 =	vld.idx.msk [tilespmem:v31+s20+$0x0], $0xffff  }
0xb9: {  	v27 =	vand.u32 $0x1FF8, v27;
	v26 =	vand.u32 $0x6, v26;
	v25 =	vor.u32 v21, v25;
	v22 =	vld.idx.msk [tilespmem:v30+s20+$0x0], $0xffff  }
0xba: {  	v12 =	vand.u32 $0x1FF8, v12;
	v7 =	vand.u32 $0x5, v7;
	v27 =	vor.u32 v26, v27;
	v21 =	vld.idx.msk [tilespmem:v28+s20+$0x0], $0xffff  }
0xbb: {  	s28 =	sadd.s32 $0x14, s28;
	v28 =	vor.u32 v7, v12;
	v7 =	vand.u32 $0x1FF8, v14;
	v12 =	vand.u32 $0x6, v13;
	v26 =	vld.idx.msk [tilespmem:v32+s20+$0x0], $0xffff  }
0xbc: {  	_ =	sdelay $0x3  }
0xbd: {  	v13 =	vld.idx.msk [tilespmem:v23+s20+$0x0], $0xffff;
	v7 =	vor.u32 v12, v7  }
0xbe: {  	v59 =	vld.idx.msk [tilespmem:v24+s20+$0x0], $0xffff;
	v2 =	vadd.f32 v19, v2;
	v10 =	vadd.f32 v16, v10  }
0xbf: {  	v14 =	vld.idx.msk [tilespmem:v25+s20+$0x0], $0xffff;
	v8 =	vadd.f32 v20, v8;
	v9 =	vadd.f32 v22, v9  }
0xc0: {  	v60 =	vld.idx.msk [tilespmem:v27+s20+$0x0], $0xffff;
	v2 =	vadd.f32 v18, v2;
	v10 =	vadd.f32 v11, v10  }
0xc1: {  	v61 =	vld.idx.msk [tilespmem:v28+s20+$0x0], $0xffff;
	v8 =	vadd.f32 v21, v8;
	v9 =	vadd.f32 v26, v9  }
0xc2: {  	v2 =	vadd.f32 v17, v2;
	v5 =	vadd.f32 v5, v10;
	v7 =	vld.idx.msk [tilespmem:v7+s20+$0x0], $0xffff  }
0xc3: {  	v8 =	vadd.f32 v13, v8;
	v9 =	vadd.f32 v59, v9  }
0xc4: {  	v2 =	vadd.f32 v15, v2;
	v4 =	vadd.f32 v4, v5  }
0xc5: {  	v8 =	vadd.f32 v14, v8;
	v9 =	vadd.f32 v60, v9  }
0xc6: {  	v2 =	vadd.f32 v6, v2;
	v3 =	vadd.f32 v3, v4  }
0xc7: {  	v62 =	vadd.f32 v61, v8;
	v63 =	vadd.f32 v7, v9;
	_ =	sdelay $0x1  }
0xc8: {  	v2 =	vadd.f32 v62, v2;
	v3 =	vadd.f32 v3, v63;
	_ =	sdelay $0x1  }
0xc9: {  	v2 =	vadd.f32 v3, v2;
	_ =	sdelay $0x1  }
0xca: {  	v2 =	vadd.f32 v2, v1;
	_ =	sdelay $0x1  }
0xcb: {  	v2 =	vsub.f32 $0.0e+00, v2;
	_ =	sdelay $0x1  }
0xcc: {  	v2 =	vmul.f32 $1.442695020e+00, v2;
	_ =	sdelay $0x1  }
0xcd: {  	(erf) = vpow2.f32 v2;
	_ =	sdelay $0x8  }
0xce: {  	v2 =	vpop (erf)  }
0xcf: {  	v2 =	vadd.f32 $1.000000000e+00, v2;
	_ =	sdelay $0x1  }
0xd0: {  	(erf) = vrcp.f32 v2;
	_ =	sdelay $0x8  }
0xd1: {  	v2 =	vpop (erf)  }
0xd2: {  	v2 =	vmul.f32 $1.000000000e+04, v2;
	_ =	sdelay $0x1  }
0xd3: {  	s24 =	sadd.s32 $0x1, s24;
	v2 =	vadd.f32 $1.258291200e+07, v2  }
0xd4: {  	p0 =	sne.s32 s24, $0x10  }
.Ltmp2:
0xd5: {  	v2 =	vadd.f32 $-1.258291200e+07, v2;
	(pc) =	sbr.rel @p0 .LBB2_2-.Ltmp2, $3  }
0xd6: {  	_ = 	snop  }
0xd7: {  	v2 =	vmul.f32 $9.999999740e-05, v2;
	_ =	sdelay $0x1  }
0xd8: {  	[tilespmem:s25+$0x3230] =	vst v2  }
0xd9: {  	s23 =	sadd.s32 $0x1, s23  }
0xda: {  	p0 =	sne.s32 s23, s12  }
.Ltmp3:
0xdb: {  	_ = 	snop;
	(pc) =	sbr.rel @p0 .LBB2_1-.Ltmp3, $4  }
0xdc: {  	[hbm4b:s11+s3] =	stream.linear.scatter [tilespmem:s22], [sflag:$0x5], $0x200, $0x38;
	[tilespmem:$0x13420] =	vst v63  }
0xdd: {  	_ =	swait.ge [sflag:s14], $0x200  }
0xde: {  	[sflag:s14] =	ssyncset.done $0x0  }
0xdf: {  	[sflag:s14] =	ssyncadd.s32 $0xFFFFFE00  }
0xe0: {  	_ =	sfence.sel $0x180000  }
0xe1: {  	[bflag:$0x0] =	sbarrier.arrive $0xFFFF  }
0xe2: {  	_ =	strace $0x90000047  }
0xe3: {  	[bflag:$0x2] =	sbarrier.arrive $0xFFFF  }
0xe4: {  	p0 =	sne.s32 s2, $0x0;
	s0 =	rddreg [dreg:$0x3]  }
0xe5: {  	s0 =	sadd.s32 @!p0 $0x100000, s0  }
0xe6: {  	[sflag:s0] =	ssyncadd.tile.s32 @!p0 $0x1;
	_ =	shalt  }
.Lfunc_end2:
_tile_overlayer_lowered:
.L_overlay_start_2:
0xe7: {  	(tag) =	ssettag $0x2  }
0xe8: {  	s0 =	rddreg [dreg:$0x0];
	s2 =	stileid.u32  }
0xe9: {  	s1 =	rddreg [dreg:$0x1];
	p0 =	sne.s32 s2, $0x0  }
0xea: {  	s3 =	rddreg [dreg:$0x2];
	[bflag:$0x3] =	sbarrier.arrive $0xFFFF;
	s2 =	simm.s32 @!p0 $0x1C05  }
0xeb: {  	[timem:s3], [sflag:s2] =	dma.local @!p0 [hbm:s0], s1  }
0xec: {  	s0 =	simm.s32 @!p0 $0x5  }
0xed: {  	_ =	swait.ge @!p0 [sflag:s0], s1  }
0xee: {  	s1 =	ssub.s32 @!p0 $0x0, s1;
	[sflag:s0] =	ssyncset.done @!p0 $0x0  }
0xef: {  	[sflag:s0] =	ssyncadd.s32 @!p0 s1  }
0xf0: {  	[bflag:$0x3] =	sbarrier.arrive $0xFFFF  }
0xf1: {  	_ =	shalt  }

</sc_bundles>
